<compile_context>
chip_gen: v7x
topology: tpu7x:2x2x1
jax: 0.10.2.dev20260603
libtpu: 0.0.44.dev20260713+nightly
codegen_flags: <defaults>
</compile_context>

<pallas_src>
import functools

import jax
import jax.numpy as jnp
from jax import lax
from jax.experimental import pallas as pl
from jax.experimental.pallas import tpu as pltpu
from jax.experimental.pallas import tpu_sc as plsc

BATCH = 16384
HIST = 50
D = 64

NC, NS = 2, 16
NW = NC * NS
BW = BATCH // NW
NBG = BW // 128
CB = 2
NJ = NBG // CB
G = HIST * NJ
NBUF = 5
K = 4


def _emb_body(ids_hbm, table_hbm, out_hbm, ids_v, rows_v, *sems):
    gat_sems = sems[: CB * NBUF]
    st_sems = sems[CB * NBUF :]
    wid = lax.axis_index("s") * NC + lax.axis_index("c")

    pltpu.sync_copy(ids_hbm.at[:, pl.ds(wid * NBG, NBG), :], ids_v)

    def issue_gather(g, s):
        h = g // NJ
        jj = g % NJ
        for e in range(CB):
            pltpu.async_copy(
                table_hbm.at[ids_v.at[h, jj * CB + e]],
                rows_v.at[s, pl.ds(e * 128, 128), :],
                gat_sems[CB * s + e],
            )

    def wait_gather(s):
        for e in range(CB):
            pltpu.make_async_copy(
                table_hbm.at[pl.ds(0, 128)],
                rows_v.at[s, pl.ds(e * 128, 128), :],
                gat_sems[CB * s + e],
            ).wait()

    def issue_store(g, s):
        h = g // NJ
        jj = g % NJ
        bb = wid * NBG + jj * CB
        pltpu.async_copy(
            rows_v.at[s],
            out_hbm.at[pl.ds(bb * 128, CB * 128), h, :],
            st_sems[s],
        )

    def wait_store(s):
        pltpu.make_async_copy(
            rows_v.at[s], out_hbm.at[pl.ds(0, CB * 128), 0, :], st_sems[s]
        ).wait()

    for s in range(K):
        issue_gather(s, s)

    def outer(gg, carry):
        for i in range(NBUF):
            g = gg * NBUF + i
            gp = g + K
            s2 = (i + K) % NBUF

            @pl.when(jnp.logical_and(gp < G, gp >= NBUF))
            def _():
                wait_store(s2)

            @pl.when(gp < G)
            def _():
                issue_gather(gp, s2)

            wait_gather(i)
            issue_store(g, i)
        return carry

    lax.fori_loop(0, G // NBUF, outer, 0)

    for s in range(NBUF):
        wait_store(s)


_mesh = plsc.VectorSubcoreMesh(
    core_axis_name="c", subcore_axis_name="s", num_cores=NC, num_subcores=NS
)

_emb = functools.partial(
    pl.kernel,
    out_type=jax.ShapeDtypeStruct((BATCH, HIST, D), jnp.float32),
    mesh=_mesh,
    scratch_types=[
        pltpu.VMEM((HIST, NBG, 128), jnp.int32),
        pltpu.VMEM((NBUF, CB * 128, D), jnp.float32),
    ]
    + [pltpu.SemaphoreType.DMA] * ((CB + 1) * NBUF),
    compiler_params=pltpu.CompilerParams(use_tc_tiling_on_sc=False),
)(_emb_body)


def kernel(entity_ids, table):
    ids3 = entity_ids.astype(jnp.int32).T.reshape(HIST, BATCH // 128, 128)
    return _emb(ids3, table)

# --- scband reference (transcript-rebuilt; emitter-appended) ---
"""Pipeline reference for scband-entity-embedding-89240830476679 (READ-ONLY COPY).

The authoritative reference and input builder live on the scoring server;
editing this copy changes nothing except your own understanding.
"""

import jax, jax.numpy as jnp
import numpy as np

NUM_ENTS = 1000000
D_OUT = 64
BATCH = 16384
HIST = 50

def setup_inputs(seed: int = 0) -> dict:
    key = jax.random.key(seed)
    k_idx, k_tab = jax.random.split(key)
    entity_ids = jax.random.randint(k_idx, (BATCH, HIST), 0, NUM_ENTS, dtype=jnp.int64 if jax.config.jax_enable_x64 else jnp.int32)
    table = jax.random.normal(k_tab, (NUM_ENTS, D_OUT), dtype=jnp.float32)
    return {"entity_ids": entity_ids, "table": table}

def reference(entity_ids, table):
    # EntityEmbedding with do_reparameterize=False: embedding lookup + Identity
    embeds = jnp.take(table, entity_ids, axis=0)
    return embeds

if __name__ == "__main__":
    import jax
    _d = setup_inputs()
    print(jax.jit(kernel)(*tuple(_d.values())))

</pallas_src>

<mosaic_0001>
#map = affine_map<(d0, d1) -> (0, 0, 0)>
#map1 = affine_map<(d0, d1) -> (0, 0)>
module attributes {stable_mosaic.version = 14 : i64} {
  func.func @_emb_body(%arg0: i32, %arg1: i32, %arg2: memref<50x128x128xi32, #tpu.memory_space<hbm>>, %arg3: memref<1000000x64xf32, #tpu.memory_space<hbm>>, %arg4: memref<16384x50x64xf32, #tpu.memory_space<hbm>>, %arg5: memref<50x4x128xi32, #tpu.memory_space<vmem>>, %arg6: memref<5x256x64xf32, #tpu.memory_space<vmem>>, %arg7: memref<!tpu.dma_semaphore, #tpu.memory_space<semaphore_mem>>, %arg8: memref<!tpu.dma_semaphore, #tpu.memory_space<semaphore_mem>>, %arg9: memref<!tpu.dma_semaphore, #tpu.memory_space<semaphore_mem>>, %arg10: memref<!tpu.dma_semaphore, #tpu.memory_space<semaphore_mem>>, %arg11: memref<!tpu.dma_semaphore, #tpu.memory_space<semaphore_mem>>, %arg12: memref<!tpu.dma_semaphore, #tpu.memory_space<semaphore_mem>>, %arg13: memref<!tpu.dma_semaphore, #tpu.memory_space<semaphore_mem>>, %arg14: memref<!tpu.dma_semaphore, #tpu.memory_space<semaphore_mem>>, %arg15: memref<!tpu.dma_semaphore, #tpu.memory_space<semaphore_mem>>, %arg16: memref<!tpu.dma_semaphore, #tpu.memory_space<semaphore_mem>>, %arg17: memref<!tpu.dma_semaphore, #tpu.memory_space<semaphore_mem>>, %arg18: memref<!tpu.dma_semaphore, #tpu.memory_space<semaphore_mem>>, %arg19: memref<!tpu.dma_semaphore, #tpu.memory_space<semaphore_mem>>, %arg20: memref<!tpu.dma_semaphore, #tpu.memory_space<semaphore_mem>>, %arg21: memref<!tpu.dma_semaphore, #tpu.memory_space<semaphore_mem>>) attributes {dimension_semantics = [#tpu.dimension_semantics<core_parallel>, #tpu.dimension_semantics<subcore_parallel>], iteration_bounds = array<i64: 2, 16>, scalar_prefetch = 0 : i64, scratch_operands = 17 : i64, tpu.core_type = #tpu.core_type<sc_vector_subcore>, window_params = [{transform_indices = #map}, {transform_indices = #map1}, {transform_indices = #map}]} {
    %mul3A = arith.constant 2 : i32
    %mul3A_0 = arith.muli %arg1, %mul3A : i32
    %add3A = arith.addi %mul3A_0, %arg0 : i32
    %mul3A_1 = arith.constant 4 : i32
    %mul3A_2 = arith.muli %add3A, %mul3A_1 : i32
    "tpu.region"() ({
      %run_scoped3A = tpu.sem_alloc : memref<!tpu.dma_semaphore, #tpu.memory_space<semaphore_mem>>
      %dma_start3A_200 = arith.constant 0 : i32
      %dma_start3A_201 = arith.constant 0 : i32
      %dma_start3A_202 = tpu.memref_slice %arg2[%dma_start3A_200, %mul3A_2, %dma_start3A_201] : memref<50x128x128xi32, #tpu.memory_space<hbm>> -> memref<50x4x128xi32, #tpu.memory_space<hbm>>
      %dma_start3A_203 = arith.constant 0 : i32
      %dma_start3A_204 = arith.constant 0 : i32
      %dma_start3A_205 = tpu.memref_slice %arg2[%dma_start3A_203, %mul3A_2, %dma_start3A_204] : memref<50x128x128xi32, #tpu.memory_space<hbm>> -> memref<50x4x128xi32, #tpu.memory_space<hbm>>
      tpu.enqueue_dma source(%dma_start3A_205 : memref<50x4x128xi32, #tpu.memory_space<hbm>>) target(%arg5 : memref<50x4x128xi32, #tpu.memory_space<vmem>>) target_semaphore(%run_scoped3A : memref<!tpu.dma_semaphore, #tpu.memory_space<semaphore_mem>>)
      %dma_wait3A_206 = arith.constant 0 : i32
      %dma_wait3A_207 = arith.constant 0 : i32
      %dma_wait3A_208 = tpu.memref_slice %arg2[%dma_wait3A_206, %mul3A_2, %dma_wait3A_207] : memref<50x128x128xi32, #tpu.memory_space<hbm>> -> memref<50x4x128xi32, #tpu.memory_space<hbm>>
      %dma_wait3A_209 = arith.constant 0 : i32
      %dma_wait3A_210 = arith.constant 0 : i32
      %dma_wait3A_211 = tpu.memref_slice %arg2[%dma_wait3A_209, %mul3A_2, %dma_wait3A_210] : memref<50x128x128xi32, #tpu.memory_space<hbm>> -> memref<50x4x128xi32, #tpu.memory_space<hbm>>
      tpu.wait_dma2 semaphore(%run_scoped3A : memref<!tpu.dma_semaphore, #tpu.memory_space<semaphore_mem>>) src(%dma_wait3A_211 : memref<50x4x128xi32, #tpu.memory_space<hbm>>) dst(%arg5 : memref<50x4x128xi32, #tpu.memory_space<vmem>>)
      tpu.yield
    }) : () -> ()
    %dma_start3A = arith.constant 0 : i32
    %dma_start3A_3 = arith.constant 0 : i32
    %dma_start3A_4 = arith.constant 0 : i32
    %dma_start3A_5 = arith.constant 0 : i32
    %dma_start3A_6 = arith.constant 0 : i32
    %dma_start3A_7 = tpu.memref_slice %arg6[%dma_start3A_4, %dma_start3A_5, %dma_start3A_6] : memref<5x256x64xf32, #tpu.memory_space<vmem>> -> memref<1x128x64xf32, #tpu.memory_space<vmem>>
    %dma_start3A_8 = tpu.memref_squeeze %dma_start3A_7 : memref<1x128x64xf32, #tpu.memory_space<vmem>> -> memref<128x64xf32, #tpu.memory_space<vmem>>
    %dma_start3A_9 = arith.constant 0 : i32
    %dma_start3A_10 = tpu.memref_slice %arg5[%dma_start3A, %dma_start3A_3, %dma_start3A_9] : memref<50x4x128xi32, #tpu.memory_space<vmem>> -> memref<1x1x128xi32, #tpu.memory_space<vmem>>
    %dma_start3A_11 = tpu.memref_squeeze %dma_start3A_10 : memref<1x1x128xi32, #tpu.memory_space<vmem>> -> memref<128xi32, #tpu.memory_space<vmem>>
    %dma_start3A_12 = arith.constant 0 : i32
    %dma_start3A_13 = arith.constant 0 : i32
    %dma_start3A_14 = tpu.memref_slice %arg3[%dma_start3A_12, %dma_start3A_13] : memref<1000000x64xf32, #tpu.memory_space<hbm>> -> memref<1000000x64xf32, #tpu.memory_space<hbm>>
    tpu.enqueue_indirect_dma source(%dma_start3A_14 : memref<1000000x64xf32, #tpu.memory_space<hbm>>) target(%dma_start3A_8 : memref<128x64xf32, #tpu.memory_space<vmem>>) offsets(%dma_start3A_11 : memref<128xi32, #tpu.memory_space<vmem>>) semaphore(%arg7 : memref<!tpu.dma_semaphore, #tpu.memory_space<semaphore_mem>>)
    %dma_start3A_15 = arith.constant 0 : i32
    %dma_start3A_16 = arith.constant 1 : i32
    %dma_start3A_17 = arith.constant 0 : i32
    %dma_start3A_18 = arith.constant 128 : i32
    %dma_start3A_19 = arith.constant 0 : i32
    %dma_start3A_20 = tpu.memref_slice %arg6[%dma_start3A_17, %dma_start3A_18, %dma_start3A_19] : memref<5x256x64xf32, #tpu.memory_space<vmem>> -> memref<1x128x64xf32, #tpu.memory_space<vmem>>
    %dma_start3A_21 = tpu.memref_squeeze %dma_start3A_20 : memref<1x128x64xf32, #tpu.memory_space<vmem>> -> memref<128x64xf32, #tpu.memory_space<vmem>>
    %dma_start3A_22 = arith.constant 0 : i32
    %dma_start3A_23 = tpu.memref_slice %arg5[%dma_start3A_15, %dma_start3A_16, %dma_start3A_22] : memref<50x4x128xi32, #tpu.memory_space<vmem>> -> memref<1x1x128xi32, #tpu.memory_space<vmem>>
    %dma_start3A_24 = tpu.memref_squeeze %dma_start3A_23 : memref<1x1x128xi32, #tpu.memory_space<vmem>> -> memref<128xi32, #tpu.memory_space<vmem>>
    %dma_start3A_25 = arith.constant 0 : i32
    %dma_start3A_26 = arith.constant 0 : i32
    %dma_start3A_27 = tpu.memref_slice %arg3[%dma_start3A_25, %dma_start3A_26] : memref<1000000x64xf32, #tpu.memory_space<hbm>> -> memref<1000000x64xf32, #tpu.memory_space<hbm>>
    tpu.enqueue_indirect_dma source(%dma_start3A_27 : memref<1000000x64xf32, #tpu.memory_space<hbm>>) target(%dma_start3A_21 : memref<128x64xf32, #tpu.memory_space<vmem>>) offsets(%dma_start3A_24 : memref<128xi32, #tpu.memory_space<vmem>>) semaphore(%arg8 : memref<!tpu.dma_semaphore, #tpu.memory_space<semaphore_mem>>)
    %dma_start3A_28 = arith.constant 0 : i32
    %dma_start3A_29 = arith.constant 2 : i32
    %dma_start3A_30 = arith.constant 1 : i32
    %dma_start3A_31 = arith.constant 0 : i32
    %dma_start3A_32 = arith.constant 0 : i32
    %dma_start3A_33 = tpu.memref_slice %arg6[%dma_start3A_30, %dma_start3A_31, %dma_start3A_32] : memref<5x256x64xf32, #tpu.memory_space<vmem>> -> memref<1x128x64xf32, #tpu.memory_space<vmem>>
    %dma_start3A_34 = tpu.memref_squeeze %dma_start3A_33 : memref<1x128x64xf32, #tpu.memory_space<vmem>> -> memref<128x64xf32, #tpu.memory_space<vmem>>
    %dma_start3A_35 = arith.constant 0 : i32
    %dma_start3A_36 = tpu.memref_slice %arg5[%dma_start3A_28, %dma_start3A_29, %dma_start3A_35] : memref<50x4x128xi32, #tpu.memory_space<vmem>> -> memref<1x1x128xi32, #tpu.memory_space<vmem>>
    %dma_start3A_37 = tpu.memref_squeeze %dma_start3A_36 : memref<1x1x128xi32, #tpu.memory_space<vmem>> -> memref<128xi32, #tpu.memory_space<vmem>>
    %dma_start3A_38 = arith.constant 0 : i32
    %dma_start3A_39 = arith.constant 0 : i32
    %dma_start3A_40 = tpu.memref_slice %arg3[%dma_start3A_38, %dma_start3A_39] : memref<1000000x64xf32, #tpu.memory_space<hbm>> -> memref<1000000x64xf32, #tpu.memory_space<hbm>>
    tpu.enqueue_indirect_dma source(%dma_start3A_40 : memref<1000000x64xf32, #tpu.memory_space<hbm>>) target(%dma_start3A_34 : memref<128x64xf32, #tpu.memory_space<vmem>>) offsets(%dma_start3A_37 : memref<128xi32, #tpu.memory_space<vmem>>) semaphore(%arg9 : memref<!tpu.dma_semaphore, #tpu.memory_space<semaphore_mem>>)
    %dma_start3A_41 = arith.constant 0 : i32
    %dma_start3A_42 = arith.constant 3 : i32
    %dma_start3A_43 = arith.constant 1 : i32
    %dma_start3A_44 = arith.constant 128 : i32
    %dma_start3A_45 = arith.constant 0 : i32
    %dma_start3A_46 = tpu.memref_slice %arg6[%dma_start3A_43, %dma_start3A_44, %dma_start3A_45] : memref<5x256x64xf32, #tpu.memory_space<vmem>> -> memref<1x128x64xf32, #tpu.memory_space<vmem>>
    %dma_start3A_47 = tpu.memref_squeeze %dma_start3A_46 : memref<1x128x64xf32, #tpu.memory_space<vmem>> -> memref<128x64xf32, #tpu.memory_space<vmem>>
    %dma_start3A_48 = arith.constant 0 : i32
    %dma_start3A_49 = tpu.memref_slice %arg5[%dma_start3A_41, %dma_start3A_42, %dma_start3A_48] : memref<50x4x128xi32, #tpu.memory_space<vmem>> -> memref<1x1x128xi32, #tpu.memory_space<vmem>>
    %dma_start3A_50 = tpu.memref_squeeze %dma_start3A_49 : memref<1x1x128xi32, #tpu.memory_space<vmem>> -> memref<128xi32, #tpu.memory_space<vmem>>
    %dma_start3A_51 = arith.constant 0 : i32
    %dma_start3A_52 = arith.constant 0 : i32
    %dma_start3A_53 = tpu.memref_slice %arg3[%dma_start3A_51, %dma_start3A_52] : memref<1000000x64xf32, #tpu.memory_space<hbm>> -> memref<1000000x64xf32, #tpu.memory_space<hbm>>
    tpu.enqueue_indirect_dma source(%dma_start3A_53 : memref<1000000x64xf32, #tpu.memory_space<hbm>>) target(%dma_start3A_47 : memref<128x64xf32, #tpu.memory_space<vmem>>) offsets(%dma_start3A_50 : memref<128xi32, #tpu.memory_space<vmem>>) semaphore(%arg10 : memref<!tpu.dma_semaphore, #tpu.memory_space<semaphore_mem>>)
    %dma_start3A_54 = arith.constant 1 : i32
    %dma_start3A_55 = arith.constant 0 : i32
    %dma_start3A_56 = arith.constant 2 : i32
    %dma_start3A_57 = arith.constant 0 : i32
    %dma_start3A_58 = arith.constant 0 : i32
    %dma_start3A_59 = tpu.memref_slice %arg6[%dma_start3A_56, %dma_start3A_57, %dma_start3A_58] : memref<5x256x64xf32, #tpu.memory_space<vmem>> -> memref<1x128x64xf32, #tpu.memory_space<vmem>>
    %dma_start3A_60 = tpu.memref_squeeze %dma_start3A_59 : memref<1x128x64xf32, #tpu.memory_space<vmem>> -> memref<128x64xf32, #tpu.memory_space<vmem>>
    %dma_start3A_61 = arith.constant 0 : i32
    %dma_start3A_62 = tpu.memref_slice %arg5[%dma_start3A_54, %dma_start3A_55, %dma_start3A_61] : memref<50x4x128xi32, #tpu.memory_space<vmem>> -> memref<1x1x128xi32, #tpu.memory_space<vmem>>
    %dma_start3A_63 = tpu.memref_squeeze %dma_start3A_62 : memref<1x1x128xi32, #tpu.memory_space<vmem>> -> memref<128xi32, #tpu.memory_space<vmem>>
    %dma_start3A_64 = arith.constant 0 : i32
    %dma_start3A_65 = arith.constant 0 : i32
    %dma_start3A_66 = tpu.memref_slice %arg3[%dma_start3A_64, %dma_start3A_65] : memref<1000000x64xf32, #tpu.memory_space<hbm>> -> memref<1000000x64xf32, #tpu.memory_space<hbm>>
    tpu.enqueue_indirect_dma source(%dma_start3A_66 : memref<1000000x64xf32, #tpu.memory_space<hbm>>) target(%dma_start3A_60 : memref<128x64xf32, #tpu.memory_space<vmem>>) offsets(%dma_start3A_63 : memref<128xi32, #tpu.memory_space<vmem>>) semaphore(%arg11 : memref<!tpu.dma_semaphore, #tpu.memory_space<semaphore_mem>>)
    %dma_start3A_67 = arith.constant 1 : i32
    %dma_start3A_68 = arith.constant 1 : i32
    %dma_start3A_69 = arith.constant 2 : i32
    %dma_start3A_70 = arith.constant 128 : i32
    %dma_start3A_71 = arith.constant 0 : i32
    %dma_start3A_72 = tpu.memref_slice %arg6[%dma_start3A_69, %dma_start3A_70, %dma_start3A_71] : memref<5x256x64xf32, #tpu.memory_space<vmem>> -> memref<1x128x64xf32, #tpu.memory_space<vmem>>
    %dma_start3A_73 = tpu.memref_squeeze %dma_start3A_72 : memref<1x128x64xf32, #tpu.memory_space<vmem>> -> memref<128x64xf32, #tpu.memory_space<vmem>>
    %dma_start3A_74 = arith.constant 0 : i32
    %dma_start3A_75 = tpu.memref_slice %arg5[%dma_start3A_67, %dma_start3A_68, %dma_start3A_74] : memref<50x4x128xi32, #tpu.memory_space<vmem>> -> memref<1x1x128xi32, #tpu.memory_space<vmem>>
    %dma_start3A_76 = tpu.memref_squeeze %dma_start3A_75 : memref<1x1x128xi32, #tpu.memory_space<vmem>> -> memref<128xi32, #tpu.memory_space<vmem>>
    %dma_start3A_77 = arith.constant 0 : i32
    %dma_start3A_78 = arith.constant 0 : i32
    %dma_start3A_79 = tpu.memref_slice %arg3[%dma_start3A_77, %dma_start3A_78] : memref<1000000x64xf32, #tpu.memory_space<hbm>> -> memref<1000000x64xf32, #tpu.memory_space<hbm>>
    tpu.enqueue_indirect_dma source(%dma_start3A_79 : memref<1000000x64xf32, #tpu.memory_space<hbm>>) target(%dma_start3A_73 : memref<128x64xf32, #tpu.memory_space<vmem>>) offsets(%dma_start3A_76 : memref<128xi32, #tpu.memory_space<vmem>>) semaphore(%arg12 : memref<!tpu.dma_semaphore, #tpu.memory_space<semaphore_mem>>)
    %dma_start3A_80 = arith.constant 1 : i32
    %dma_start3A_81 = arith.constant 2 : i32
    %dma_start3A_82 = arith.constant 3 : i32
    %dma_start3A_83 = arith.constant 0 : i32
    %dma_start3A_84 = arith.constant 0 : i32
    %dma_start3A_85 = tpu.memref_slice %arg6[%dma_start3A_82, %dma_start3A_83, %dma_start3A_84] : memref<5x256x64xf32, #tpu.memory_space<vmem>> -> memref<1x128x64xf32, #tpu.memory_space<vmem>>
    %dma_start3A_86 = tpu.memref_squeeze %dma_start3A_85 : memref<1x128x64xf32, #tpu.memory_space<vmem>> -> memref<128x64xf32, #tpu.memory_space<vmem>>
    %dma_start3A_87 = arith.constant 0 : i32
    %dma_start3A_88 = tpu.memref_slice %arg5[%dma_start3A_80, %dma_start3A_81, %dma_start3A_87] : memref<50x4x128xi32, #tpu.memory_space<vmem>> -> memref<1x1x128xi32, #tpu.memory_space<vmem>>
    %dma_start3A_89 = tpu.memref_squeeze %dma_start3A_88 : memref<1x1x128xi32, #tpu.memory_space<vmem>> -> memref<128xi32, #tpu.memory_space<vmem>>
    %dma_start3A_90 = arith.constant 0 : i32
    %dma_start3A_91 = arith.constant 0 : i32
    %dma_start3A_92 = tpu.memref_slice %arg3[%dma_start3A_90, %dma_start3A_91] : memref<1000000x64xf32, #tpu.memory_space<hbm>> -> memref<1000000x64xf32, #tpu.memory_space<hbm>>
    tpu.enqueue_indirect_dma source(%dma_start3A_92 : memref<1000000x64xf32, #tpu.memory_space<hbm>>) target(%dma_start3A_86 : memref<128x64xf32, #tpu.memory_space<vmem>>) offsets(%dma_start3A_89 : memref<128xi32, #tpu.memory_space<vmem>>) semaphore(%arg13 : memref<!tpu.dma_semaphore, #tpu.memory_space<semaphore_mem>>)
    %dma_start3A_93 = arith.constant 1 : i32
    %dma_start3A_94 = arith.constant 3 : i32
    %dma_start3A_95 = arith.constant 3 : i32
    %dma_start3A_96 = arith.constant 128 : i32
    %dma_start3A_97 = arith.constant 0 : i32
    %dma_start3A_98 = tpu.memref_slice %arg6[%dma_start3A_95, %dma_start3A_96, %dma_start3A_97] : memref<5x256x64xf32, #tpu.memory_space<vmem>> -> memref<1x128x64xf32, #tpu.memory_space<vmem>>
    %dma_start3A_99 = tpu.memref_squeeze %dma_start3A_98 : memref<1x128x64xf32, #tpu.memory_space<vmem>> -> memref<128x64xf32, #tpu.memory_space<vmem>>
    %dma_start3A_100 = arith.constant 0 : i32
    %dma_start3A_101 = tpu.memref_slice %arg5[%dma_start3A_93, %dma_start3A_94, %dma_start3A_100] : memref<50x4x128xi32, #tpu.memory_space<vmem>> -> memref<1x1x128xi32, #tpu.memory_space<vmem>>
    %dma_start3A_102 = tpu.memref_squeeze %dma_start3A_101 : memref<1x1x128xi32, #tpu.memory_space<vmem>> -> memref<128xi32, #tpu.memory_space<vmem>>
    %dma_start3A_103 = arith.constant 0 : i32
    %dma_start3A_104 = arith.constant 0 : i32
    %dma_start3A_105 = tpu.memref_slice %arg3[%dma_start3A_103, %dma_start3A_104] : memref<1000000x64xf32, #tpu.memory_space<hbm>> -> memref<1000000x64xf32, #tpu.memory_space<hbm>>
    tpu.enqueue_indirect_dma source(%dma_start3A_105 : memref<1000000x64xf32, #tpu.memory_space<hbm>>) target(%dma_start3A_99 : memref<128x64xf32, #tpu.memory_space<vmem>>) offsets(%dma_start3A_102 : memref<128xi32, #tpu.memory_space<vmem>>) semaphore(%arg14 : memref<!tpu.dma_semaphore, #tpu.memory_space<semaphore_mem>>)
    %scan3A = arith.constant 0 : i32
    %scan3A_106 = arith.constant 0 : i32
    %scan3A_107 = arith.constant 20 : i32
    %scan3A_108 = arith.addi %scan3A_106, %scan3A_107 : i32
    %scan3A_109 = arith.constant 1 : i32
    scf.for %scan3A_200 = %scan3A_106 to %scan3A_108 step %scan3A_109  : i32 {
      %mul3A_201 = arith.constant 5 : i32
      %mul3A_202 = arith.muli %scan3A_200, %mul3A_201 : i32
      %add3A_203 = arith.constant 0 : i32
      %add3A_204 = arith.addi %mul3A_202, %add3A_203 : i32
      %add3A_205 = arith.constant 4 : i32
      %add3A_206 = arith.addi %add3A_204, %add3A_205 : i32
      %lt3A = arith.constant 100 : i32
      %lt3A_207 = arith.cmpi slt, %add3A_206, %lt3A : i32
      %ge3A = arith.constant 5 : i32
      %ge3A_208 = arith.cmpi sge, %add3A_206, %ge3A : i32
      %and3A = arith.andi %lt3A_207, %ge3A_208 : i1
      %convert_element_type3A = arith.extui %and3A : i1 to i32
      %cond3A = arith.constant 0 : i32
      %cond3A_209 = arith.cmpi ne, %convert_element_type3A, %cond3A : i32
      scf.if %cond3A_209 {
        %dma_wait3A_743 = arith.constant 4 : i32
        %dma_wait3A_744 = arith.constant 0 : i32
        %dma_wait3A_745 = arith.constant 0 : i32
        %dma_wait3A_746 = arith.constant 0 : i32
        %dma_wait3A_747 = tpu.memref_slice %arg6[%dma_wait3A_743, %dma_wait3A_745, %dma_wait3A_746] : memref<5x256x64xf32, #tpu.memory_space<vmem>> -> memref<1x256x64xf32, #tpu.memory_space<vmem>>
        %dma_wait3A_748 = tpu.memref_squeeze %dma_wait3A_747 : memref<1x256x64xf32, #tpu.memory_space<vmem>> -> memref<256x64xf32, #tpu.memory_space<vmem>>
        %dma_wait3A_749 = arith.constant 0 : i32
        %dma_wait3A_750 = arith.constant 0 : i32
        %dma_wait3A_751 = tpu.memref_slice %arg4[%dma_wait3A_749, %dma_wait3A_744, %dma_wait3A_750] : memref<16384x50x64xf32, #tpu.memory_space<hbm>> -> memref<256x1x64xf32, #tpu.memory_space<hbm>>
        %dma_wait3A_752 = tpu.memref_squeeze %dma_wait3A_751 : memref<256x1x64xf32, #tpu.memory_space<hbm>> -> memref<256x64xf32, #tpu.memory_space<hbm>>
        %dma_wait3A_753 = arith.constant 0 : i32
        %dma_wait3A_754 = arith.constant 0 : i32
        %dma_wait3A_755 = tpu.memref_slice %arg4[%dma_wait3A_753, %dma_wait3A_744, %dma_wait3A_754] : memref<16384x50x64xf32, #tpu.memory_space<hbm>> -> memref<256x1x64xf32, #tpu.memory_space<hbm>>
        %dma_wait3A_756 = tpu.memref_squeeze %dma_wait3A_755 : memref<256x1x64xf32, #tpu.memory_space<hbm>> -> memref<256x64xf32, #tpu.memory_space<hbm>>
        %dma_wait3A_757 = arith.constant 0 : i32
        %dma_wait3A_758 = arith.constant 0 : i32
        %dma_wait3A_759 = tpu.memref_slice %arg6[%dma_wait3A_743, %dma_wait3A_757, %dma_wait3A_758] : memref<5x256x64xf32, #tpu.memory_space<vmem>> -> memref<1x256x64xf32, #tpu.memory_space<vmem>>
        %dma_wait3A_760 = tpu.memref_squeeze %dma_wait3A_759 : memref<1x256x64xf32, #tpu.memory_space<vmem>> -> memref<256x64xf32, #tpu.memory_space<vmem>>
        tpu.wait_dma2 semaphore(%arg21 : memref<!tpu.dma_semaphore, #tpu.memory_space<semaphore_mem>>) src(%dma_wait3A_760 : memref<256x64xf32, #tpu.memory_space<vmem>>) dst(%dma_wait3A_756 : memref<256x64xf32, #tpu.memory_space<hbm>>)
      } else {
      }
      %lt3A_210 = arith.constant 100 : i32
      %lt3A_211 = arith.cmpi slt, %add3A_206, %lt3A_210 : i32
      %convert_element_type3A_212 = arith.extui %lt3A_211 : i1 to i32
      %cond3A_213 = arith.constant 0 : i32
      %cond3A_214 = arith.cmpi ne, %convert_element_type3A_212, %cond3A_213 : i32
      scf.if %cond3A_214 {
        %jit3A_743 = arith.constant 2 : i32
        %div3A_744 = arith.divsi %add3A_206, %jit3A_743 : i32
        %sign3A_745 = arith.constant 0 : i32
        %sign3A_746 = arith.cmpi sgt, %add3A_206, %sign3A_745 : i32
        %sign3A_747 = arith.extui %sign3A_746 : i1 to i32
        %sign3A_748 = arith.constant 0 : i32
        %sign3A_749 = arith.cmpi slt, %add3A_206, %sign3A_748 : i32
        %sign3A_750 = arith.extui %sign3A_749 : i1 to i32
        %sign3A_751 = arith.subi %sign3A_747, %sign3A_750 : i32
        %sign3A_752 = arith.constant 0 : i32
        %sign3A_753 = arith.cmpi sgt, %jit3A_743, %sign3A_752 : i32
        %sign3A_754 = arith.extui %sign3A_753 : i1 to i32
        %sign3A_755 = arith.constant 0 : i32
        %sign3A_756 = arith.cmpi slt, %jit3A_743, %sign3A_755 : i32
        %sign3A_757 = arith.extui %sign3A_756 : i1 to i32
        %sign3A_758 = arith.subi %sign3A_754, %sign3A_757 : i32
        %ne3A_759 = arith.cmpi ne, %sign3A_751, %sign3A_758 : i32
        %rem3A_760 = arith.remsi %add3A_206, %jit3A_743 : i32
        %ne3A_761 = arith.constant 0 : i32
        %ne3A_762 = arith.cmpi ne, %rem3A_760, %ne3A_761 : i32
        %and3A_763 = arith.andi %ne3A_759, %ne3A_762 : i1
        %sub3A_764 = arith.constant 1 : i32
        %sub3A_765 = arith.subi %div3A_744, %sub3A_764 : i32
        %select_n3A_766 = arith.select %and3A_763, %sub3A_765, %div3A_744 : i32
        %jit3A_767 = arith.constant 2 : i32
        %eq3A_768 = arith.constant 0 : i32
        %eq3A_769 = arith.cmpi eq, %jit3A_767, %eq3A_768 : i32
        %jit3A_770 = arith.constant 1 : i32
        %select_n3A_771 = arith.select %eq3A_769, %jit3A_770, %jit3A_767 : i32
        %rem3A_772 = arith.remsi %add3A_206, %select_n3A_771 : i32
        %ne3A_773 = arith.constant 0 : i32
        %ne3A_774 = arith.cmpi ne, %rem3A_772, %ne3A_773 : i32
        %lt3A_775 = arith.constant 0 : i32
        %lt3A_776 = arith.cmpi slt, %rem3A_772, %lt3A_775 : i32
        %lt3A_777 = arith.constant 0 : i32
        %lt3A_778 = arith.cmpi slt, %select_n3A_771, %lt3A_777 : i32
        %ne3A_779 = arith.xori %lt3A_776, %lt3A_778 : i1
        %and3A_780 = arith.andi %ne3A_779, %ne3A_774 : i1
        %add3A_781 = arith.addi %rem3A_772, %select_n3A_771 : i32
        %select_n3A_782 = arith.select %and3A_780, %add3A_781, %rem3A_772 : i32
        %mul3A_783 = arith.constant 2 : i32
        %mul3A_784 = arith.muli %select_n3A_782, %mul3A_783 : i32
        %add3A_785 = arith.constant 0 : i32
        %add3A_786 = arith.addi %mul3A_784, %add3A_785 : i32
        %dma_start3A_787 = arith.constant 4 : i32
        %dma_start3A_788 = arith.constant 0 : i32
        %dma_start3A_789 = arith.constant 0 : i32
        %dma_start3A_790 = tpu.memref_slice %arg6[%dma_start3A_787, %dma_start3A_788, %dma_start3A_789] : memref<5x256x64xf32, #tpu.memory_space<vmem>> -> memref<1x128x64xf32, #tpu.memory_space<vmem>>
        %dma_start3A_791 = tpu.memref_squeeze %dma_start3A_790 : memref<1x128x64xf32, #tpu.memory_space<vmem>> -> memref<128x64xf32, #tpu.memory_space<vmem>>
        %dma_start3A_792 = arith.constant 0 : i32
        %dma_start3A_793 = tpu.memref_slice %arg5[%select_n3A_766, %add3A_786, %dma_start3A_792] : memref<50x4x128xi32, #tpu.memory_space<vmem>> -> memref<1x1x128xi32, #tpu.memory_space<vmem>>
        %dma_start3A_794 = tpu.memref_squeeze %dma_start3A_793 : memref<1x1x128xi32, #tpu.memory_space<vmem>> -> memref<128xi32, #tpu.memory_space<vmem>>
        %dma_start3A_795 = arith.constant 0 : i32
        %dma_start3A_796 = arith.constant 0 : i32
        %dma_start3A_797 = tpu.memref_slice %arg3[%dma_start3A_795, %dma_start3A_796] : memref<1000000x64xf32, #tpu.memory_space<hbm>> -> memref<1000000x64xf32, #tpu.memory_space<hbm>>
        tpu.enqueue_indirect_dma source(%dma_start3A_797 : memref<1000000x64xf32, #tpu.memory_space<hbm>>) target(%dma_start3A_791 : memref<128x64xf32, #tpu.memory_space<vmem>>) offsets(%dma_start3A_794 : memref<128xi32, #tpu.memory_space<vmem>>) semaphore(%arg15 : memref<!tpu.dma_semaphore, #tpu.memory_space<semaphore_mem>>)
        %mul3A_798 = arith.constant 2 : i32
        %mul3A_799 = arith.muli %select_n3A_782, %mul3A_798 : i32
        %add3A_800 = arith.constant 1 : i32
        %add3A_801 = arith.addi %mul3A_799, %add3A_800 : i32
        %dma_start3A_802 = arith.constant 4 : i32
        %dma_start3A_803 = arith.constant 128 : i32
        %dma_start3A_804 = arith.constant 0 : i32
        %dma_start3A_805 = tpu.memref_slice %arg6[%dma_start3A_802, %dma_start3A_803, %dma_start3A_804] : memref<5x256x64xf32, #tpu.memory_space<vmem>> -> memref<1x128x64xf32, #tpu.memory_space<vmem>>
        %dma_start3A_806 = tpu.memref_squeeze %dma_start3A_805 : memref<1x128x64xf32, #tpu.memory_space<vmem>> -> memref<128x64xf32, #tpu.memory_space<vmem>>
        %dma_start3A_807 = arith.constant 0 : i32
        %dma_start3A_808 = tpu.memref_slice %arg5[%select_n3A_766, %add3A_801, %dma_start3A_807] : memref<50x4x128xi32, #tpu.memory_space<vmem>> -> memref<1x1x128xi32, #tpu.memory_space<vmem>>
        %dma_start3A_809 = tpu.memref_squeeze %dma_start3A_808 : memref<1x1x128xi32, #tpu.memory_space<vmem>> -> memref<128xi32, #tpu.memory_space<vmem>>
        %dma_start3A_810 = arith.constant 0 : i32
        %dma_start3A_811 = arith.constant 0 : i32
        %dma_start3A_812 = tpu.memref_slice %arg3[%dma_start3A_810, %dma_start3A_811] : memref<1000000x64xf32, #tpu.memory_space<hbm>> -> memref<1000000x64xf32, #tpu.memory_space<hbm>>
        tpu.enqueue_indirect_dma source(%dma_start3A_812 : memref<1000000x64xf32, #tpu.memory_space<hbm>>) target(%dma_start3A_806 : memref<128x64xf32, #tpu.memory_space<vmem>>) offsets(%dma_start3A_809 : memref<128xi32, #tpu.memory_space<vmem>>) semaphore(%arg16 : memref<!tpu.dma_semaphore, #tpu.memory_space<semaphore_mem>>)
      } else {
      }
      %dma_wait3A_215 = arith.constant 0 : i32
      %dma_wait3A_216 = arith.constant 0 : i32
      %dma_wait3A_217 = arith.constant 0 : i32
      %dma_wait3A_218 = tpu.memref_slice %arg6[%dma_wait3A_215, %dma_wait3A_216, %dma_wait3A_217] : memref<5x256x64xf32, #tpu.memory_space<vmem>> -> memref<1x128x64xf32, #tpu.memory_space<vmem>>
      %dma_wait3A_219 = tpu.memref_squeeze %dma_wait3A_218 : memref<1x128x64xf32, #tpu.memory_space<vmem>> -> memref<128x64xf32, #tpu.memory_space<vmem>>
      %dma_wait3A_220 = arith.constant 0 : i32
      %dma_wait3A_221 = arith.constant 0 : i32
      %dma_wait3A_222 = tpu.memref_slice %arg3[%dma_wait3A_220, %dma_wait3A_221] : memref<1000000x64xf32, #tpu.memory_space<hbm>> -> memref<128x64xf32, #tpu.memory_space<hbm>>
      %dma_wait3A_223 = arith.constant 0 : i32
      %dma_wait3A_224 = arith.constant 0 : i32
      %dma_wait3A_225 = tpu.memref_slice %arg6[%dma_wait3A_215, %dma_wait3A_223, %dma_wait3A_224] : memref<5x256x64xf32, #tpu.memory_space<vmem>> -> memref<1x128x64xf32, #tpu.memory_space<vmem>>
      %dma_wait3A_226 = tpu.memref_squeeze %dma_wait3A_225 : memref<1x128x64xf32, #tpu.memory_space<vmem>> -> memref<128x64xf32, #tpu.memory_space<vmem>>
      %dma_wait3A_227 = arith.constant 0 : i32
      %dma_wait3A_228 = arith.constant 0 : i32
      %dma_wait3A_229 = tpu.memref_slice %arg3[%dma_wait3A_227, %dma_wait3A_228] : memref<1000000x64xf32, #tpu.memory_space<hbm>> -> memref<128x64xf32, #tpu.memory_space<hbm>>
      tpu.wait_dma2 semaphore(%arg7 : memref<!tpu.dma_semaphore, #tpu.memory_space<semaphore_mem>>) src(%dma_wait3A_229 : memref<128x64xf32, #tpu.memory_space<hbm>>) dst(%dma_wait3A_226 : memref<128x64xf32, #tpu.memory_space<vmem>>)
      %dma_wait3A_230 = arith.constant 0 : i32
      %dma_wait3A_231 = arith.constant 128 : i32
      %dma_wait3A_232 = arith.constant 0 : i32
      %dma_wait3A_233 = tpu.memref_slice %arg6[%dma_wait3A_230, %dma_wait3A_231, %dma_wait3A_232] : memref<5x256x64xf32, #tpu.memory_space<vmem>> -> memref<1x128x64xf32, #tpu.memory_space<vmem>>
      %dma_wait3A_234 = tpu.memref_squeeze %dma_wait3A_233 : memref<1x128x64xf32, #tpu.memory_space<vmem>> -> memref<128x64xf32, #tpu.memory_space<vmem>>
      %dma_wait3A_235 = arith.constant 0 : i32
      %dma_wait3A_236 = arith.constant 0 : i32
      %dma_wait3A_237 = tpu.memref_slice %arg3[%dma_wait3A_235, %dma_wait3A_236] : memref<1000000x64xf32, #tpu.memory_space<hbm>> -> memref<128x64xf32, #tpu.memory_space<hbm>>
      %dma_wait3A_238 = arith.constant 128 : i32
      %dma_wait3A_239 = arith.constant 0 : i32
      %dma_wait3A_240 = tpu.memref_slice %arg6[%dma_wait3A_230, %dma_wait3A_238, %dma_wait3A_239] : memref<5x256x64xf32, #tpu.memory_space<vmem>> -> memref<1x128x64xf32, #tpu.memory_space<vmem>>
      %dma_wait3A_241 = tpu.memref_squeeze %dma_wait3A_240 : memref<1x128x64xf32, #tpu.memory_space<vmem>> -> memref<128x64xf32, #tpu.memory_space<vmem>>
      %dma_wait3A_242 = arith.constant 0 : i32
      %dma_wait3A_243 = arith.constant 0 : i32
      %dma_wait3A_244 = tpu.memref_slice %arg3[%dma_wait3A_242, %dma_wait3A_243] : memref<1000000x64xf32, #tpu.memory_space<hbm>> -> memref<128x64xf32, #tpu.memory_space<hbm>>
      tpu.wait_dma2 semaphore(%arg8 : memref<!tpu.dma_semaphore, #tpu.memory_space<semaphore_mem>>) src(%dma_wait3A_244 : memref<128x64xf32, #tpu.memory_space<hbm>>) dst(%dma_wait3A_241 : memref<128x64xf32, #tpu.memory_space<vmem>>)
      %jit3A = arith.constant 2 : i32
      %div3A = arith.divsi %add3A_204, %jit3A : i32
      %sign3A = arith.constant 0 : i32
      %sign3A_245 = arith.cmpi sgt, %add3A_204, %sign3A : i32
      %sign3A_246 = arith.extui %sign3A_245 : i1 to i32
      %sign3A_247 = arith.constant 0 : i32
      %sign3A_248 = arith.cmpi slt, %add3A_204, %sign3A_247 : i32
      %sign3A_249 = arith.extui %sign3A_248 : i1 to i32
      %sign3A_250 = arith.subi %sign3A_246, %sign3A_249 : i32
      %sign3A_251 = arith.constant 0 : i32
      %sign3A_252 = arith.cmpi sgt, %jit3A, %sign3A_251 : i32
      %sign3A_253 = arith.extui %sign3A_252 : i1 to i32
      %sign3A_254 = arith.constant 0 : i32
      %sign3A_255 = arith.cmpi slt, %jit3A, %sign3A_254 : i32
      %sign3A_256 = arith.extui %sign3A_255 : i1 to i32
      %sign3A_257 = arith.subi %sign3A_253, %sign3A_256 : i32
      %ne3A = arith.cmpi ne, %sign3A_250, %sign3A_257 : i32
      %rem3A = arith.remsi %add3A_204, %jit3A : i32
      %ne3A_258 = arith.constant 0 : i32
      %ne3A_259 = arith.cmpi ne, %rem3A, %ne3A_258 : i32
      %and3A_260 = arith.andi %ne3A, %ne3A_259 : i1
      %sub3A = arith.constant 1 : i32
      %sub3A_261 = arith.subi %div3A, %sub3A : i32
      %select_n3A = arith.select %and3A_260, %sub3A_261, %div3A : i32
      %jit3A_262 = arith.constant 2 : i32
      %eq3A = arith.constant 0 : i32
      %eq3A_263 = arith.cmpi eq, %jit3A_262, %eq3A : i32
      %jit3A_264 = arith.constant 1 : i32
      %select_n3A_265 = arith.select %eq3A_263, %jit3A_264, %jit3A_262 : i32
      %rem3A_266 = arith.remsi %add3A_204, %select_n3A_265 : i32
      %ne3A_267 = arith.constant 0 : i32
      %ne3A_268 = arith.cmpi ne, %rem3A_266, %ne3A_267 : i32
      %lt3A_269 = arith.constant 0 : i32
      %lt3A_270 = arith.cmpi slt, %rem3A_266, %lt3A_269 : i32
      %lt3A_271 = arith.constant 0 : i32
      %lt3A_272 = arith.cmpi slt, %select_n3A_265, %lt3A_271 : i32
      %ne3A_273 = arith.xori %lt3A_270, %lt3A_272 : i1
      %and3A_274 = arith.andi %ne3A_273, %ne3A_268 : i1
      %add3A_275 = arith.addi %rem3A_266, %select_n3A_265 : i32
      %select_n3A_276 = arith.select %and3A_274, %add3A_275, %rem3A_266 : i32
      %mul3A_277 = arith.constant 4 : i32
      %mul3A_278 = arith.muli %add3A, %mul3A_277 : i32
      %mul3A_279 = arith.constant 2 : i32
      %mul3A_280 = arith.muli %select_n3A_276, %mul3A_279 : i32
      %add3A_281 = arith.addi %mul3A_278, %mul3A_280 : i32
      %mul3A_282 = arith.constant 128 : i32
      %mul3A_283 = arith.muli %add3A_281, %mul3A_282 : i32
      %dma_start3A_284 = arith.constant 0 : i32
      %dma_start3A_285 = arith.constant 0 : i32
      %dma_start3A_286 = arith.constant 0 : i32
      %dma_start3A_287 = tpu.memref_slice %arg6[%dma_start3A_284, %dma_start3A_285, %dma_start3A_286] : memref<5x256x64xf32, #tpu.memory_space<vmem>> -> memref<1x256x64xf32, #tpu.memory_space<vmem>>
      %dma_start3A_288 = tpu.memref_squeeze %dma_start3A_287 : memref<1x256x64xf32, #tpu.memory_space<vmem>> -> memref<256x64xf32, #tpu.memory_space<vmem>>
      %dma_start3A_289 = arith.constant 0 : i32
      %dma_start3A_290 = tpu.memref_slice %arg4[%mul3A_283, %select_n3A, %dma_start3A_289] : memref<16384x50x64xf32, #tpu.memory_space<hbm>> -> memref<256x1x64xf32, #tpu.memory_space<hbm>>
      %dma_start3A_291 = tpu.memref_squeeze %dma_start3A_290 : memref<256x1x64xf32, #tpu.memory_space<hbm>> -> memref<256x64xf32, #tpu.memory_space<hbm>>
      %dma_start3A_292 = arith.constant 0 : i32
      %dma_start3A_293 = tpu.memref_slice %arg4[%mul3A_283, %select_n3A, %dma_start3A_292] : memref<16384x50x64xf32, #tpu.memory_space<hbm>> -> memref<256x1x64xf32, #tpu.memory_space<hbm>>
      %dma_start3A_294 = tpu.memref_squeeze %dma_start3A_293 : memref<256x1x64xf32, #tpu.memory_space<hbm>> -> memref<256x64xf32, #tpu.memory_space<hbm>>
      %dma_start3A_295 = arith.constant 0 : i32
      %dma_start3A_296 = arith.constant 0 : i32
      %dma_start3A_297 = tpu.memref_slice %arg6[%dma_start3A_284, %dma_start3A_295, %dma_start3A_296] : memref<5x256x64xf32, #tpu.memory_space<vmem>> -> memref<1x256x64xf32, #tpu.memory_space<vmem>>
      %dma_start3A_298 = tpu.memref_squeeze %dma_start3A_297 : memref<1x256x64xf32, #tpu.memory_space<vmem>> -> memref<256x64xf32, #tpu.memory_space<vmem>>
      tpu.enqueue_dma source(%dma_start3A_298 : memref<256x64xf32, #tpu.memory_space<vmem>>) target(%dma_start3A_294 : memref<256x64xf32, #tpu.memory_space<hbm>>) target_semaphore(%arg17 : memref<!tpu.dma_semaphore, #tpu.memory_space<semaphore_mem>>)
      %mul3A_299 = arith.constant 5 : i32
      %mul3A_300 = arith.muli %scan3A_200, %mul3A_299 : i32
      %add3A_301 = arith.constant 1 : i32
      %add3A_302 = arith.addi %mul3A_300, %add3A_301 : i32
      %add3A_303 = arith.constant 4 : i32
      %add3A_304 = arith.addi %add3A_302, %add3A_303 : i32
      %lt3A_305 = arith.constant 100 : i32
      %lt3A_306 = arith.cmpi slt, %add3A_304, %lt3A_305 : i32
      %ge3A_307 = arith.constant 5 : i32
      %ge3A_308 = arith.cmpi sge, %add3A_304, %ge3A_307 : i32
      %and3A_309 = arith.andi %lt3A_306, %ge3A_308 : i1
      %convert_element_type3A_310 = arith.extui %and3A_309 : i1 to i32
      %cond3A_311 = arith.constant 0 : i32
      %cond3A_312 = arith.cmpi ne, %convert_element_type3A_310, %cond3A_311 : i32
      scf.if %cond3A_312 {
        %dma_wait3A_743 = arith.constant 0 : i32
        %dma_wait3A_744 = arith.constant 0 : i32
        %dma_wait3A_745 = arith.constant 0 : i32
        %dma_wait3A_746 = arith.constant 0 : i32
        %dma_wait3A_747 = tpu.memref_slice %arg6[%dma_wait3A_743, %dma_wait3A_745, %dma_wait3A_746] : memref<5x256x64xf32, #tpu.memory_space<vmem>> -> memref<1x256x64xf32, #tpu.memory_space<vmem>>
        %dma_wait3A_748 = tpu.memref_squeeze %dma_wait3A_747 : memref<1x256x64xf32, #tpu.memory_space<vmem>> -> memref<256x64xf32, #tpu.memory_space<vmem>>
        %dma_wait3A_749 = arith.constant 0 : i32
        %dma_wait3A_750 = arith.constant 0 : i32
        %dma_wait3A_751 = tpu.memref_slice %arg4[%dma_wait3A_749, %dma_wait3A_744, %dma_wait3A_750] : memref<16384x50x64xf32, #tpu.memory_space<hbm>> -> memref<256x1x64xf32, #tpu.memory_space<hbm>>
        %dma_wait3A_752 = tpu.memref_squeeze %dma_wait3A_751 : memref<256x1x64xf32, #tpu.memory_space<hbm>> -> memref<256x64xf32, #tpu.memory_space<hbm>>
        %dma_wait3A_753 = arith.constant 0 : i32
        %dma_wait3A_754 = arith.constant 0 : i32
        %dma_wait3A_755 = tpu.memref_slice %arg4[%dma_wait3A_753, %dma_wait3A_744, %dma_wait3A_754] : memref<16384x50x64xf32, #tpu.memory_space<hbm>> -> memref<256x1x64xf32, #tpu.memory_space<hbm>>
        %dma_wait3A_756 = tpu.memref_squeeze %dma_wait3A_755 : memref<256x1x64xf32, #tpu.memory_space<hbm>> -> memref<256x64xf32, #tpu.memory_space<hbm>>
        %dma_wait3A_757 = arith.constant 0 : i32
        %dma_wait3A_758 = arith.constant 0 : i32
        %dma_wait3A_759 = tpu.memref_slice %arg6[%dma_wait3A_743, %dma_wait3A_757, %dma_wait3A_758] : memref<5x256x64xf32, #tpu.memory_space<vmem>> -> memref<1x256x64xf32, #tpu.memory_space<vmem>>
        %dma_wait3A_760 = tpu.memref_squeeze %dma_wait3A_759 : memref<1x256x64xf32, #tpu.memory_space<vmem>> -> memref<256x64xf32, #tpu.memory_space<vmem>>
        tpu.wait_dma2 semaphore(%arg17 : memref<!tpu.dma_semaphore, #tpu.memory_space<semaphore_mem>>) src(%dma_wait3A_760 : memref<256x64xf32, #tpu.memory_space<vmem>>) dst(%dma_wait3A_756 : memref<256x64xf32, #tpu.memory_space<hbm>>)
      } else {
      }
      %lt3A_313 = arith.constant 100 : i32
      %lt3A_314 = arith.cmpi slt, %add3A_304, %lt3A_313 : i32
      %convert_element_type3A_315 = arith.extui %lt3A_314 : i1 to i32
      %cond3A_316 = arith.constant 0 : i32
      %cond3A_317 = arith.cmpi ne, %convert_element_type3A_315, %cond3A_316 : i32
      scf.if %cond3A_317 {
        %jit3A_743 = arith.constant 2 : i32
        %div3A_744 = arith.divsi %add3A_304, %jit3A_743 : i32
        %sign3A_745 = arith.constant 0 : i32
        %sign3A_746 = arith.cmpi sgt, %add3A_304, %sign3A_745 : i32
        %sign3A_747 = arith.extui %sign3A_746 : i1 to i32
        %sign3A_748 = arith.constant 0 : i32
        %sign3A_749 = arith.cmpi slt, %add3A_304, %sign3A_748 : i32
        %sign3A_750 = arith.extui %sign3A_749 : i1 to i32
        %sign3A_751 = arith.subi %sign3A_747, %sign3A_750 : i32
        %sign3A_752 = arith.constant 0 : i32
        %sign3A_753 = arith.cmpi sgt, %jit3A_743, %sign3A_752 : i32
        %sign3A_754 = arith.extui %sign3A_753 : i1 to i32
        %sign3A_755 = arith.constant 0 : i32
        %sign3A_756 = arith.cmpi slt, %jit3A_743, %sign3A_755 : i32
        %sign3A_757 = arith.extui %sign3A_756 : i1 to i32
        %sign3A_758 = arith.subi %sign3A_754, %sign3A_757 : i32
        %ne3A_759 = arith.cmpi ne, %sign3A_751, %sign3A_758 : i32
        %rem3A_760 = arith.remsi %add3A_304, %jit3A_743 : i32
        %ne3A_761 = arith.constant 0 : i32
        %ne3A_762 = arith.cmpi ne, %rem3A_760, %ne3A_761 : i32
        %and3A_763 = arith.andi %ne3A_759, %ne3A_762 : i1
        %sub3A_764 = arith.constant 1 : i32
        %sub3A_765 = arith.subi %div3A_744, %sub3A_764 : i32
        %select_n3A_766 = arith.select %and3A_763, %sub3A_765, %div3A_744 : i32
        %jit3A_767 = arith.constant 2 : i32
        %eq3A_768 = arith.constant 0 : i32
        %eq3A_769 = arith.cmpi eq, %jit3A_767, %eq3A_768 : i32
        %jit3A_770 = arith.constant 1 : i32
        %select_n3A_771 = arith.select %eq3A_769, %jit3A_770, %jit3A_767 : i32
        %rem3A_772 = arith.remsi %add3A_304, %select_n3A_771 : i32
        %ne3A_773 = arith.constant 0 : i32
        %ne3A_774 = arith.cmpi ne, %rem3A_772, %ne3A_773 : i32
        %lt3A_775 = arith.constant 0 : i32
        %lt3A_776 = arith.cmpi slt, %rem3A_772, %lt3A_775 : i32
        %lt3A_777 = arith.constant 0 : i32
        %lt3A_778 = arith.cmpi slt, %select_n3A_771, %lt3A_777 : i32
        %ne3A_779 = arith.xori %lt3A_776, %lt3A_778 : i1
        %and3A_780 = arith.andi %ne3A_779, %ne3A_774 : i1
        %add3A_781 = arith.addi %rem3A_772, %select_n3A_771 : i32
        %select_n3A_782 = arith.select %and3A_780, %add3A_781, %rem3A_772 : i32
        %mul3A_783 = arith.constant 2 : i32
        %mul3A_784 = arith.muli %select_n3A_782, %mul3A_783 : i32
        %add3A_785 = arith.constant 0 : i32
        %add3A_786 = arith.addi %mul3A_784, %add3A_785 : i32
        %dma_start3A_787 = arith.constant 0 : i32
        %dma_start3A_788 = arith.constant 0 : i32
        %dma_start3A_789 = arith.constant 0 : i32
        %dma_start3A_790 = tpu.memref_slice %arg6[%dma_start3A_787, %dma_start3A_788, %dma_start3A_789] : memref<5x256x64xf32, #tpu.memory_space<vmem>> -> memref<1x128x64xf32, #tpu.memory_space<vmem>>
        %dma_start3A_791 = tpu.memref_squeeze %dma_start3A_790 : memref<1x128x64xf32, #tpu.memory_space<vmem>> -> memref<128x64xf32, #tpu.memory_space<vmem>>
        %dma_start3A_792 = arith.constant 0 : i32
        %dma_start3A_793 = tpu.memref_slice %arg5[%select_n3A_766, %add3A_786, %dma_start3A_792] : memref<50x4x128xi32, #tpu.memory_space<vmem>> -> memref<1x1x128xi32, #tpu.memory_space<vmem>>
        %dma_start3A_794 = tpu.memref_squeeze %dma_start3A_793 : memref<1x1x128xi32, #tpu.memory_space<vmem>> -> memref<128xi32, #tpu.memory_space<vmem>>
        %dma_start3A_795 = arith.constant 0 : i32
        %dma_start3A_796 = arith.constant 0 : i32
        %dma_start3A_797 = tpu.memref_slice %arg3[%dma_start3A_795, %dma_start3A_796] : memref<1000000x64xf32, #tpu.memory_space<hbm>> -> memref<1000000x64xf32, #tpu.memory_space<hbm>>
        tpu.enqueue_indirect_dma source(%dma_start3A_797 : memref<1000000x64xf32, #tpu.memory_space<hbm>>) target(%dma_start3A_791 : memref<128x64xf32, #tpu.memory_space<vmem>>) offsets(%dma_start3A_794 : memref<128xi32, #tpu.memory_space<vmem>>) semaphore(%arg7 : memref<!tpu.dma_semaphore, #tpu.memory_space<semaphore_mem>>)
        %mul3A_798 = arith.constant 2 : i32
        %mul3A_799 = arith.muli %select_n3A_782, %mul3A_798 : i32
        %add3A_800 = arith.constant 1 : i32
        %add3A_801 = arith.addi %mul3A_799, %add3A_800 : i32
        %dma_start3A_802 = arith.constant 0 : i32
        %dma_start3A_803 = arith.constant 128 : i32
        %dma_start3A_804 = arith.constant 0 : i32
        %dma_start3A_805 = tpu.memref_slice %arg6[%dma_start3A_802, %dma_start3A_803, %dma_start3A_804] : memref<5x256x64xf32, #tpu.memory_space<vmem>> -> memref<1x128x64xf32, #tpu.memory_space<vmem>>
        %dma_start3A_806 = tpu.memref_squeeze %dma_start3A_805 : memref<1x128x64xf32, #tpu.memory_space<vmem>> -> memref<128x64xf32, #tpu.memory_space<vmem>>
        %dma_start3A_807 = arith.constant 0 : i32
        %dma_start3A_808 = tpu.memref_slice %arg5[%select_n3A_766, %add3A_801, %dma_start3A_807] : memref<50x4x128xi32, #tpu.memory_space<vmem>> -> memref<1x1x128xi32, #tpu.memory_space<vmem>>
        %dma_start3A_809 = tpu.memref_squeeze %dma_start3A_808 : memref<1x1x128xi32, #tpu.memory_space<vmem>> -> memref<128xi32, #tpu.memory_space<vmem>>
        %dma_start3A_810 = arith.constant 0 : i32
        %dma_start3A_811 = arith.constant 0 : i32
        %dma_start3A_812 = tpu.memref_slice %arg3[%dma_start3A_810, %dma_start3A_811] : memref<1000000x64xf32, #tpu.memory_space<hbm>> -> memref<1000000x64xf32, #tpu.memory_space<hbm>>
        tpu.enqueue_indirect_dma source(%dma_start3A_812 : memref<1000000x64xf32, #tpu.memory_space<hbm>>) target(%dma_start3A_806 : memref<128x64xf32, #tpu.memory_space<vmem>>) offsets(%dma_start3A_809 : memref<128xi32, #tpu.memory_space<vmem>>) semaphore(%arg8 : memref<!tpu.dma_semaphore, #tpu.memory_space<semaphore_mem>>)
      } else {
      }
      %dma_wait3A_318 = arith.constant 1 : i32
      %dma_wait3A_319 = arith.constant 0 : i32
      %dma_wait3A_320 = arith.constant 0 : i32
      %dma_wait3A_321 = tpu.memref_slice %arg6[%dma_wait3A_318, %dma_wait3A_319, %dma_wait3A_320] : memref<5x256x64xf32, #tpu.memory_space<vmem>> -> memref<1x128x64xf32, #tpu.memory_space<vmem>>
      %dma_wait3A_322 = tpu.memref_squeeze %dma_wait3A_321 : memref<1x128x64xf32, #tpu.memory_space<vmem>> -> memref<128x64xf32, #tpu.memory_space<vmem>>
      %dma_wait3A_323 = arith.constant 0 : i32
      %dma_wait3A_324 = arith.constant 0 : i32
      %dma_wait3A_325 = tpu.memref_slice %arg3[%dma_wait3A_323, %dma_wait3A_324] : memref<1000000x64xf32, #tpu.memory_space<hbm>> -> memref<128x64xf32, #tpu.memory_space<hbm>>
      %dma_wait3A_326 = arith.constant 0 : i32
      %dma_wait3A_327 = arith.constant 0 : i32
      %dma_wait3A_328 = tpu.memref_slice %arg6[%dma_wait3A_318, %dma_wait3A_326, %dma_wait3A_327] : memref<5x256x64xf32, #tpu.memory_space<vmem>> -> memref<1x128x64xf32, #tpu.memory_space<vmem>>
      %dma_wait3A_329 = tpu.memref_squeeze %dma_wait3A_328 : memref<1x128x64xf32, #tpu.memory_space<vmem>> -> memref<128x64xf32, #tpu.memory_space<vmem>>
      %dma_wait3A_330 = arith.constant 0 : i32
      %dma_wait3A_331 = arith.constant 0 : i32
      %dma_wait3A_332 = tpu.memref_slice %arg3[%dma_wait3A_330, %dma_wait3A_331] : memref<1000000x64xf32, #tpu.memory_space<hbm>> -> memref<128x64xf32, #tpu.memory_space<hbm>>
      tpu.wait_dma2 semaphore(%arg9 : memref<!tpu.dma_semaphore, #tpu.memory_space<semaphore_mem>>) src(%dma_wait3A_332 : memref<128x64xf32, #tpu.memory_space<hbm>>) dst(%dma_wait3A_329 : memref<128x64xf32, #tpu.memory_space<vmem>>)
      %dma_wait3A_333 = arith.constant 1 : i32
      %dma_wait3A_334 = arith.constant 128 : i32
      %dma_wait3A_335 = arith.constant 0 : i32
      %dma_wait3A_336 = tpu.memref_slice %arg6[%dma_wait3A_333, %dma_wait3A_334, %dma_wait3A_335] : memref<5x256x64xf32, #tpu.memory_space<vmem>> -> memref<1x128x64xf32, #tpu.memory_space<vmem>>
      %dma_wait3A_337 = tpu.memref_squeeze %dma_wait3A_336 : memref<1x128x64xf32, #tpu.memory_space<vmem>> -> memref<128x64xf32, #tpu.memory_space<vmem>>
      %dma_wait3A_338 = arith.constant 0 : i32
      %dma_wait3A_339 = arith.constant 0 : i32
      %dma_wait3A_340 = tpu.memref_slice %arg3[%dma_wait3A_338, %dma_wait3A_339] : memref<1000000x64xf32, #tpu.memory_space<hbm>> -> memref<128x64xf32, #tpu.memory_space<hbm>>
      %dma_wait3A_341 = arith.constant 128 : i32
      %dma_wait3A_342 = arith.constant 0 : i32
      %dma_wait3A_343 = tpu.memref_slice %arg6[%dma_wait3A_333, %dma_wait3A_341, %dma_wait3A_342] : memref<5x256x64xf32, #tpu.memory_space<vmem>> -> memref<1x128x64xf32, #tpu.memory_space<vmem>>
      %dma_wait3A_344 = tpu.memref_squeeze %dma_wait3A_343 : memref<1x128x64xf32, #tpu.memory_space<vmem>> -> memref<128x64xf32, #tpu.memory_space<vmem>>
      %dma_wait3A_345 = arith.constant 0 : i32
      %dma_wait3A_346 = arith.constant 0 : i32
      %dma_wait3A_347 = tpu.memref_slice %arg3[%dma_wait3A_345, %dma_wait3A_346] : memref<1000000x64xf32, #tpu.memory_space<hbm>> -> memref<128x64xf32, #tpu.memory_space<hbm>>
      tpu.wait_dma2 semaphore(%arg10 : memref<!tpu.dma_semaphore, #tpu.memory_space<semaphore_mem>>) src(%dma_wait3A_347 : memref<128x64xf32, #tpu.memory_space<hbm>>) dst(%dma_wait3A_344 : memref<128x64xf32, #tpu.memory_space<vmem>>)
      %jit3A_348 = arith.constant 2 : i32
      %div3A_349 = arith.divsi %add3A_302, %jit3A_348 : i32
      %sign3A_350 = arith.constant 0 : i32
      %sign3A_351 = arith.cmpi sgt, %add3A_302, %sign3A_350 : i32
      %sign3A_352 = arith.extui %sign3A_351 : i1 to i32
      %sign3A_353 = arith.constant 0 : i32
      %sign3A_354 = arith.cmpi slt, %add3A_302, %sign3A_353 : i32
      %sign3A_355 = arith.extui %sign3A_354 : i1 to i32
      %sign3A_356 = arith.subi %sign3A_352, %sign3A_355 : i32
      %sign3A_357 = arith.constant 0 : i32
      %sign3A_358 = arith.cmpi sgt, %jit3A_348, %sign3A_357 : i32
      %sign3A_359 = arith.extui %sign3A_358 : i1 to i32
      %sign3A_360 = arith.constant 0 : i32
      %sign3A_361 = arith.cmpi slt, %jit3A_348, %sign3A_360 : i32
      %sign3A_362 = arith.extui %sign3A_361 : i1 to i32
      %sign3A_363 = arith.subi %sign3A_359, %sign3A_362 : i32
      %ne3A_364 = arith.cmpi ne, %sign3A_356, %sign3A_363 : i32
      %rem3A_365 = arith.remsi %add3A_302, %jit3A_348 : i32
      %ne3A_366 = arith.constant 0 : i32
      %ne3A_367 = arith.cmpi ne, %rem3A_365, %ne3A_366 : i32
      %and3A_368 = arith.andi %ne3A_364, %ne3A_367 : i1
      %sub3A_369 = arith.constant 1 : i32
      %sub3A_370 = arith.subi %div3A_349, %sub3A_369 : i32
      %select_n3A_371 = arith.select %and3A_368, %sub3A_370, %div3A_349 : i32
      %jit3A_372 = arith.constant 2 : i32
      %eq3A_373 = arith.constant 0 : i32
      %eq3A_374 = arith.cmpi eq, %jit3A_372, %eq3A_373 : i32
      %jit3A_375 = arith.constant 1 : i32
      %select_n3A_376 = arith.select %eq3A_374, %jit3A_375, %jit3A_372 : i32
      %rem3A_377 = arith.remsi %add3A_302, %select_n3A_376 : i32
      %ne3A_378 = arith.constant 0 : i32
      %ne3A_379 = arith.cmpi ne, %rem3A_377, %ne3A_378 : i32
      %lt3A_380 = arith.constant 0 : i32
      %lt3A_381 = arith.cmpi slt, %rem3A_377, %lt3A_380 : i32
      %lt3A_382 = arith.constant 0 : i32
      %lt3A_383 = arith.cmpi slt, %select_n3A_376, %lt3A_382 : i32
      %ne3A_384 = arith.xori %lt3A_381, %lt3A_383 : i1
      %and3A_385 = arith.andi %ne3A_384, %ne3A_379 : i1
      %add3A_386 = arith.addi %rem3A_377, %select_n3A_376 : i32
      %select_n3A_387 = arith.select %and3A_385, %add3A_386, %rem3A_377 : i32
      %mul3A_388 = arith.constant 4 : i32
      %mul3A_389 = arith.muli %add3A, %mul3A_388 : i32
      %mul3A_390 = arith.constant 2 : i32
      %mul3A_391 = arith.muli %select_n3A_387, %mul3A_390 : i32
      %add3A_392 = arith.addi %mul3A_389, %mul3A_391 : i32
      %mul3A_393 = arith.constant 128 : i32
      %mul3A_394 = arith.muli %add3A_392, %mul3A_393 : i32
      %dma_start3A_395 = arith.constant 1 : i32
      %dma_start3A_396 = arith.constant 0 : i32
      %dma_start3A_397 = arith.constant 0 : i32
      %dma_start3A_398 = tpu.memref_slice %arg6[%dma_start3A_395, %dma_start3A_396, %dma_start3A_397] : memref<5x256x64xf32, #tpu.memory_space<vmem>> -> memref<1x256x64xf32, #tpu.memory_space<vmem>>
      %dma_start3A_399 = tpu.memref_squeeze %dma_start3A_398 : memref<1x256x64xf32, #tpu.memory_space<vmem>> -> memref<256x64xf32, #tpu.memory_space<vmem>>
      %dma_start3A_400 = arith.constant 0 : i32
      %dma_start3A_401 = tpu.memref_slice %arg4[%mul3A_394, %select_n3A_371, %dma_start3A_400] : memref<16384x50x64xf32, #tpu.memory_space<hbm>> -> memref<256x1x64xf32, #tpu.memory_space<hbm>>
      %dma_start3A_402 = tpu.memref_squeeze %dma_start3A_401 : memref<256x1x64xf32, #tpu.memory_space<hbm>> -> memref<256x64xf32, #tpu.memory_space<hbm>>
      %dma_start3A_403 = arith.constant 0 : i32
      %dma_start3A_404 = tpu.memref_slice %arg4[%mul3A_394, %select_n3A_371, %dma_start3A_403] : memref<16384x50x64xf32, #tpu.memory_space<hbm>> -> memref<256x1x64xf32, #tpu.memory_space<hbm>>
      %dma_start3A_405 = tpu.memref_squeeze %dma_start3A_404 : memref<256x1x64xf32, #tpu.memory_space<hbm>> -> memref<256x64xf32, #tpu.memory_space<hbm>>
      %dma_start3A_406 = arith.constant 0 : i32
      %dma_start3A_407 = arith.constant 0 : i32
      %dma_start3A_408 = tpu.memref_slice %arg6[%dma_start3A_395, %dma_start3A_406, %dma_start3A_407] : memref<5x256x64xf32, #tpu.memory_space<vmem>> -> memref<1x256x64xf32, #tpu.memory_space<vmem>>
      %dma_start3A_409 = tpu.memref_squeeze %dma_start3A_408 : memref<1x256x64xf32, #tpu.memory_space<vmem>> -> memref<256x64xf32, #tpu.memory_space<vmem>>
      tpu.enqueue_dma source(%dma_start3A_409 : memref<256x64xf32, #tpu.memory_space<vmem>>) target(%dma_start3A_405 : memref<256x64xf32, #tpu.memory_space<hbm>>) target_semaphore(%arg18 : memref<!tpu.dma_semaphore, #tpu.memory_space<semaphore_mem>>)
      %mul3A_410 = arith.constant 5 : i32
      %mul3A_411 = arith.muli %scan3A_200, %mul3A_410 : i32
      %add3A_412 = arith.constant 2 : i32
      %add3A_413 = arith.addi %mul3A_411, %add3A_412 : i32
      %add3A_414 = arith.constant 4 : i32
      %add3A_415 = arith.addi %add3A_413, %add3A_414 : i32
      %lt3A_416 = arith.constant 100 : i32
      %lt3A_417 = arith.cmpi slt, %add3A_415, %lt3A_416 : i32
      %ge3A_418 = arith.constant 5 : i32
      %ge3A_419 = arith.cmpi sge, %add3A_415, %ge3A_418 : i32
      %and3A_420 = arith.andi %lt3A_417, %ge3A_419 : i1
      %convert_element_type3A_421 = arith.extui %and3A_420 : i1 to i32
      %cond3A_422 = arith.constant 0 : i32
      %cond3A_423 = arith.cmpi ne, %convert_element_type3A_421, %cond3A_422 : i32
      scf.if %cond3A_423 {
        %dma_wait3A_743 = arith.constant 1 : i32
        %dma_wait3A_744 = arith.constant 0 : i32
        %dma_wait3A_745 = arith.constant 0 : i32
        %dma_wait3A_746 = arith.constant 0 : i32
        %dma_wait3A_747 = tpu.memref_slice %arg6[%dma_wait3A_743, %dma_wait3A_745, %dma_wait3A_746] : memref<5x256x64xf32, #tpu.memory_space<vmem>> -> memref<1x256x64xf32, #tpu.memory_space<vmem>>
        %dma_wait3A_748 = tpu.memref_squeeze %dma_wait3A_747 : memref<1x256x64xf32, #tpu.memory_space<vmem>> -> memref<256x64xf32, #tpu.memory_space<vmem>>
        %dma_wait3A_749 = arith.constant 0 : i32
        %dma_wait3A_750 = arith.constant 0 : i32
        %dma_wait3A_751 = tpu.memref_slice %arg4[%dma_wait3A_749, %dma_wait3A_744, %dma_wait3A_750] : memref<16384x50x64xf32, #tpu.memory_space<hbm>> -> memref<256x1x64xf32, #tpu.memory_space<hbm>>
        %dma_wait3A_752 = tpu.memref_squeeze %dma_wait3A_751 : memref<256x1x64xf32, #tpu.memory_space<hbm>> -> memref<256x64xf32, #tpu.memory_space<hbm>>
        %dma_wait3A_753 = arith.constant 0 : i32
        %dma_wait3A_754 = arith.constant 0 : i32
        %dma_wait3A_755 = tpu.memref_slice %arg4[%dma_wait3A_753, %dma_wait3A_744, %dma_wait3A_754] : memref<16384x50x64xf32, #tpu.memory_space<hbm>> -> memref<256x1x64xf32, #tpu.memory_space<hbm>>
        %dma_wait3A_756 = tpu.memref_squeeze %dma_wait3A_755 : memref<256x1x64xf32, #tpu.memory_space<hbm>> -> memref<256x64xf32, #tpu.memory_space<hbm>>
        %dma_wait3A_757 = arith.constant 0 : i32
        %dma_wait3A_758 = arith.constant 0 : i32
        %dma_wait3A_759 = tpu.memref_slice %arg6[%dma_wait3A_743, %dma_wait3A_757, %dma_wait3A_758] : memref<5x256x64xf32, #tpu.memory_space<vmem>> -> memref<1x256x64xf32, #tpu.memory_space<vmem>>
        %dma_wait3A_760 = tpu.memref_squeeze %dma_wait3A_759 : memref<1x256x64xf32, #tpu.memory_space<vmem>> -> memref<256x64xf32, #tpu.memory_space<vmem>>
        tpu.wait_dma2 semaphore(%arg18 : memref<!tpu.dma_semaphore, #tpu.memory_space<semaphore_mem>>) src(%dma_wait3A_760 : memref<256x64xf32, #tpu.memory_space<vmem>>) dst(%dma_wait3A_756 : memref<256x64xf32, #tpu.memory_space<hbm>>)
      } else {
      }
      %lt3A_424 = arith.constant 100 : i32
      %lt3A_425 = arith.cmpi slt, %add3A_415, %lt3A_424 : i32
      %convert_element_type3A_426 = arith.extui %lt3A_425 : i1 to i32
      %cond3A_427 = arith.constant 0 : i32
      %cond3A_428 = arith.cmpi ne, %convert_element_type3A_426, %cond3A_427 : i32
      scf.if %cond3A_428 {
        %jit3A_743 = arith.constant 2 : i32
        %div3A_744 = arith.divsi %add3A_415, %jit3A_743 : i32
        %sign3A_745 = arith.constant 0 : i32
        %sign3A_746 = arith.cmpi sgt, %add3A_415, %sign3A_745 : i32
        %sign3A_747 = arith.extui %sign3A_746 : i1 to i32
        %sign3A_748 = arith.constant 0 : i32
        %sign3A_749 = arith.cmpi slt, %add3A_415, %sign3A_748 : i32
        %sign3A_750 = arith.extui %sign3A_749 : i1 to i32
        %sign3A_751 = arith.subi %sign3A_747, %sign3A_750 : i32
        %sign3A_752 = arith.constant 0 : i32
        %sign3A_753 = arith.cmpi sgt, %jit3A_743, %sign3A_752 : i32
        %sign3A_754 = arith.extui %sign3A_753 : i1 to i32
        %sign3A_755 = arith.constant 0 : i32
        %sign3A_756 = arith.cmpi slt, %jit3A_743, %sign3A_755 : i32
        %sign3A_757 = arith.extui %sign3A_756 : i1 to i32
        %sign3A_758 = arith.subi %sign3A_754, %sign3A_757 : i32
        %ne3A_759 = arith.cmpi ne, %sign3A_751, %sign3A_758 : i32
        %rem3A_760 = arith.remsi %add3A_415, %jit3A_743 : i32
        %ne3A_761 = arith.constant 0 : i32
        %ne3A_762 = arith.cmpi ne, %rem3A_760, %ne3A_761 : i32
        %and3A_763 = arith.andi %ne3A_759, %ne3A_762 : i1
        %sub3A_764 = arith.constant 1 : i32
        %sub3A_765 = arith.subi %div3A_744, %sub3A_764 : i32
        %select_n3A_766 = arith.select %and3A_763, %sub3A_765, %div3A_744 : i32
        %jit3A_767 = arith.constant 2 : i32
        %eq3A_768 = arith.constant 0 : i32
        %eq3A_769 = arith.cmpi eq, %jit3A_767, %eq3A_768 : i32
        %jit3A_770 = arith.constant 1 : i32
        %select_n3A_771 = arith.select %eq3A_769, %jit3A_770, %jit3A_767 : i32
        %rem3A_772 = arith.remsi %add3A_415, %select_n3A_771 : i32
        %ne3A_773 = arith.constant 0 : i32
        %ne3A_774 = arith.cmpi ne, %rem3A_772, %ne3A_773 : i32
        %lt3A_775 = arith.constant 0 : i32
        %lt3A_776 = arith.cmpi slt, %rem3A_772, %lt3A_775 : i32
        %lt3A_777 = arith.constant 0 : i32
        %lt3A_778 = arith.cmpi slt, %select_n3A_771, %lt3A_777 : i32
        %ne3A_779 = arith.xori %lt3A_776, %lt3A_778 : i1
        %and3A_780 = arith.andi %ne3A_779, %ne3A_774 : i1
        %add3A_781 = arith.addi %rem3A_772, %select_n3A_771 : i32
        %select_n3A_782 = arith.select %and3A_780, %add3A_781, %rem3A_772 : i32
        %mul3A_783 = arith.constant 2 : i32
        %mul3A_784 = arith.muli %select_n3A_782, %mul3A_783 : i32
        %add3A_785 = arith.constant 0 : i32
        %add3A_786 = arith.addi %mul3A_784, %add3A_785 : i32
        %dma_start3A_787 = arith.constant 1 : i32
        %dma_start3A_788 = arith.constant 0 : i32
        %dma_start3A_789 = arith.constant 0 : i32
        %dma_start3A_790 = tpu.memref_slice %arg6[%dma_start3A_787, %dma_start3A_788, %dma_start3A_789] : memref<5x256x64xf32, #tpu.memory_space<vmem>> -> memref<1x128x64xf32, #tpu.memory_space<vmem>>
        %dma_start3A_791 = tpu.memref_squeeze %dma_start3A_790 : memref<1x128x64xf32, #tpu.memory_space<vmem>> -> memref<128x64xf32, #tpu.memory_space<vmem>>
        %dma_start3A_792 = arith.constant 0 : i32
        %dma_start3A_793 = tpu.memref_slice %arg5[%select_n3A_766, %add3A_786, %dma_start3A_792] : memref<50x4x128xi32, #tpu.memory_space<vmem>> -> memref<1x1x128xi32, #tpu.memory_space<vmem>>
        %dma_start3A_794 = tpu.memref_squeeze %dma_start3A_793 : memref<1x1x128xi32, #tpu.memory_space<vmem>> -> memref<128xi32, #tpu.memory_space<vmem>>
        %dma_start3A_795 = arith.constant 0 : i32
        %dma_start3A_796 = arith.constant 0 : i32
        %dma_start3A_797 = tpu.memref_slice %arg3[%dma_start3A_795, %dma_start3A_796] : memref<1000000x64xf32, #tpu.memory_space<hbm>> -> memref<1000000x64xf32, #tpu.memory_space<hbm>>
        tpu.enqueue_indirect_dma source(%dma_start3A_797 : memref<1000000x64xf32, #tpu.memory_space<hbm>>) target(%dma_start3A_791 : memref<128x64xf32, #tpu.memory_space<vmem>>) offsets(%dma_start3A_794 : memref<128xi32, #tpu.memory_space<vmem>>) semaphore(%arg9 : memref<!tpu.dma_semaphore, #tpu.memory_space<semaphore_mem>>)
        %mul3A_798 = arith.constant 2 : i32
        %mul3A_799 = arith.muli %select_n3A_782, %mul3A_798 : i32
        %add3A_800 = arith.constant 1 : i32
        %add3A_801 = arith.addi %mul3A_799, %add3A_800 : i32
        %dma_start3A_802 = arith.constant 1 : i32
        %dma_start3A_803 = arith.constant 128 : i32
        %dma_start3A_804 = arith.constant 0 : i32
        %dma_start3A_805 = tpu.memref_slice %arg6[%dma_start3A_802, %dma_start3A_803, %dma_start3A_804] : memref<5x256x64xf32, #tpu.memory_space<vmem>> -> memref<1x128x64xf32, #tpu.memory_space<vmem>>
        %dma_start3A_806 = tpu.memref_squeeze %dma_start3A_805 : memref<1x128x64xf32, #tpu.memory_space<vmem>> -> memref<128x64xf32, #tpu.memory_space<vmem>>
        %dma_start3A_807 = arith.constant 0 : i32
        %dma_start3A_808 = tpu.memref_slice %arg5[%select_n3A_766, %add3A_801, %dma_start3A_807] : memref<50x4x128xi32, #tpu.memory_space<vmem>> -> memref<1x1x128xi32, #tpu.memory_space<vmem>>
        %dma_start3A_809 = tpu.memref_squeeze %dma_start3A_808 : memref<1x1x128xi32, #tpu.memory_space<vmem>> -> memref<128xi32, #tpu.memory_space<vmem>>
        %dma_start3A_810 = arith.constant 0 : i32
        %dma_start3A_811 = arith.constant 0 : i32
        %dma_start3A_812 = tpu.memref_slice %arg3[%dma_start3A_810, %dma_start3A_811] : memref<1000000x64xf32, #tpu.memory_space<hbm>> -> memref<1000000x64xf32, #tpu.memory_space<hbm>>
        tpu.enqueue_indirect_dma source(%dma_start3A_812 : memref<1000000x64xf32, #tpu.memory_space<hbm>>) target(%dma_start3A_806 : memref<128x64xf32, #tpu.memory_space<vmem>>) offsets(%dma_start3A_809 : memref<128xi32, #tpu.memory_space<vmem>>) semaphore(%arg10 : memref<!tpu.dma_semaphore, #tpu.memory_space<semaphore_mem>>)
      } else {
      }
      %dma_wait3A_429 = arith.constant 2 : i32
      %dma_wait3A_430 = arith.constant 0 : i32
      %dma_wait3A_431 = arith.constant 0 : i32
      %dma_wait3A_432 = tpu.memref_slice %arg6[%dma_wait3A_429, %dma_wait3A_430, %dma_wait3A_431] : memref<5x256x64xf32, #tpu.memory_space<vmem>> -> memref<1x128x64xf32, #tpu.memory_space<vmem>>
      %dma_wait3A_433 = tpu.memref_squeeze %dma_wait3A_432 : memref<1x128x64xf32, #tpu.memory_space<vmem>> -> memref<128x64xf32, #tpu.memory_space<vmem>>
      %dma_wait3A_434 = arith.constant 0 : i32
      %dma_wait3A_435 = arith.constant 0 : i32
      %dma_wait3A_436 = tpu.memref_slice %arg3[%dma_wait3A_434, %dma_wait3A_435] : memref<1000000x64xf32, #tpu.memory_space<hbm>> -> memref<128x64xf32, #tpu.memory_space<hbm>>
      %dma_wait3A_437 = arith.constant 0 : i32
      %dma_wait3A_438 = arith.constant 0 : i32
      %dma_wait3A_439 = tpu.memref_slice %arg6[%dma_wait3A_429, %dma_wait3A_437, %dma_wait3A_438] : memref<5x256x64xf32, #tpu.memory_space<vmem>> -> memref<1x128x64xf32, #tpu.memory_space<vmem>>
      %dma_wait3A_440 = tpu.memref_squeeze %dma_wait3A_439 : memref<1x128x64xf32, #tpu.memory_space<vmem>> -> memref<128x64xf32, #tpu.memory_space<vmem>>
      %dma_wait3A_441 = arith.constant 0 : i32
      %dma_wait3A_442 = arith.constant 0 : i32
      %dma_wait3A_443 = tpu.memref_slice %arg3[%dma_wait3A_441, %dma_wait3A_442] : memref<1000000x64xf32, #tpu.memory_space<hbm>> -> memref<128x64xf32, #tpu.memory_space<hbm>>
      tpu.wait_dma2 semaphore(%arg11 : memref<!tpu.dma_semaphore, #tpu.memory_space<semaphore_mem>>) src(%dma_wait3A_443 : memref<128x64xf32, #tpu.memory_space<hbm>>) dst(%dma_wait3A_440 : memref<128x64xf32, #tpu.memory_space<vmem>>)
      %dma_wait3A_444 = arith.constant 2 : i32
      %dma_wait3A_445 = arith.constant 128 : i32
      %dma_wait3A_446 = arith.constant 0 : i32
      %dma_wait3A_447 = tpu.memref_slice %arg6[%dma_wait3A_444, %dma_wait3A_445, %dma_wait3A_446] : memref<5x256x64xf32, #tpu.memory_space<vmem>> -> memref<1x128x64xf32, #tpu.memory_space<vmem>>
      %dma_wait3A_448 = tpu.memref_squeeze %dma_wait3A_447 : memref<1x128x64xf32, #tpu.memory_space<vmem>> -> memref<128x64xf32, #tpu.memory_space<vmem>>
      %dma_wait3A_449 = arith.constant 0 : i32
      %dma_wait3A_450 = arith.constant 0 : i32
      %dma_wait3A_451 = tpu.memref_slice %arg3[%dma_wait3A_449, %dma_wait3A_450] : memref<1000000x64xf32, #tpu.memory_space<hbm>> -> memref<128x64xf32, #tpu.memory_space<hbm>>
      %dma_wait3A_452 = arith.constant 128 : i32
      %dma_wait3A_453 = arith.constant 0 : i32
      %dma_wait3A_454 = tpu.memref_slice %arg6[%dma_wait3A_444, %dma_wait3A_452, %dma_wait3A_453] : memref<5x256x64xf32, #tpu.memory_space<vmem>> -> memref<1x128x64xf32, #tpu.memory_space<vmem>>
      %dma_wait3A_455 = tpu.memref_squeeze %dma_wait3A_454 : memref<1x128x64xf32, #tpu.memory_space<vmem>> -> memref<128x64xf32, #tpu.memory_space<vmem>>
      %dma_wait3A_456 = arith.constant 0 : i32
      %dma_wait3A_457 = arith.constant 0 : i32
      %dma_wait3A_458 = tpu.memref_slice %arg3[%dma_wait3A_456, %dma_wait3A_457] : memref<1000000x64xf32, #tpu.memory_space<hbm>> -> memref<128x64xf32, #tpu.memory_space<hbm>>
      tpu.wait_dma2 semaphore(%arg12 : memref<!tpu.dma_semaphore, #tpu.memory_space<semaphore_mem>>) src(%dma_wait3A_458 : memref<128x64xf32, #tpu.memory_space<hbm>>) dst(%dma_wait3A_455 : memref<128x64xf32, #tpu.memory_space<vmem>>)
      %jit3A_459 = arith.constant 2 : i32
      %div3A_460 = arith.divsi %add3A_413, %jit3A_459 : i32
      %sign3A_461 = arith.constant 0 : i32
      %sign3A_462 = arith.cmpi sgt, %add3A_413, %sign3A_461 : i32
      %sign3A_463 = arith.extui %sign3A_462 : i1 to i32
      %sign3A_464 = arith.constant 0 : i32
      %sign3A_465 = arith.cmpi slt, %add3A_413, %sign3A_464 : i32
      %sign3A_466 = arith.extui %sign3A_465 : i1 to i32
      %sign3A_467 = arith.subi %sign3A_463, %sign3A_466 : i32
      %sign3A_468 = arith.constant 0 : i32
      %sign3A_469 = arith.cmpi sgt, %jit3A_459, %sign3A_468 : i32
      %sign3A_470 = arith.extui %sign3A_469 : i1 to i32
      %sign3A_471 = arith.constant 0 : i32
      %sign3A_472 = arith.cmpi slt, %jit3A_459, %sign3A_471 : i32
      %sign3A_473 = arith.extui %sign3A_472 : i1 to i32
      %sign3A_474 = arith.subi %sign3A_470, %sign3A_473 : i32
      %ne3A_475 = arith.cmpi ne, %sign3A_467, %sign3A_474 : i32
      %rem3A_476 = arith.remsi %add3A_413, %jit3A_459 : i32
      %ne3A_477 = arith.constant 0 : i32
      %ne3A_478 = arith.cmpi ne, %rem3A_476, %ne3A_477 : i32
      %and3A_479 = arith.andi %ne3A_475, %ne3A_478 : i1
      %sub3A_480 = arith.constant 1 : i32
      %sub3A_481 = arith.subi %div3A_460, %sub3A_480 : i32
      %select_n3A_482 = arith.select %and3A_479, %sub3A_481, %div3A_460 : i32
      %jit3A_483 = arith.constant 2 : i32
      %eq3A_484 = arith.constant 0 : i32
      %eq3A_485 = arith.cmpi eq, %jit3A_483, %eq3A_484 : i32
      %jit3A_486 = arith.constant 1 : i32
      %select_n3A_487 = arith.select %eq3A_485, %jit3A_486, %jit3A_483 : i32
      %rem3A_488 = arith.remsi %add3A_413, %select_n3A_487 : i32
      %ne3A_489 = arith.constant 0 : i32
      %ne3A_490 = arith.cmpi ne, %rem3A_488, %ne3A_489 : i32
      %lt3A_491 = arith.constant 0 : i32
      %lt3A_492 = arith.cmpi slt, %rem3A_488, %lt3A_491 : i32
      %lt3A_493 = arith.constant 0 : i32
      %lt3A_494 = arith.cmpi slt, %select_n3A_487, %lt3A_493 : i32
      %ne3A_495 = arith.xori %lt3A_492, %lt3A_494 : i1
      %and3A_496 = arith.andi %ne3A_495, %ne3A_490 : i1
      %add3A_497 = arith.addi %rem3A_488, %select_n3A_487 : i32
      %select_n3A_498 = arith.select %and3A_496, %add3A_497, %rem3A_488 : i32
      %mul3A_499 = arith.constant 4 : i32
      %mul3A_500 = arith.muli %add3A, %mul3A_499 : i32
      %mul3A_501 = arith.constant 2 : i32
      %mul3A_502 = arith.muli %select_n3A_498, %mul3A_501 : i32
      %add3A_503 = arith.addi %mul3A_500, %mul3A_502 : i32
      %mul3A_504 = arith.constant 128 : i32
      %mul3A_505 = arith.muli %add3A_503, %mul3A_504 : i32
      %dma_start3A_506 = arith.constant 2 : i32
      %dma_start3A_507 = arith.constant 0 : i32
      %dma_start3A_508 = arith.constant 0 : i32
      %dma_start3A_509 = tpu.memref_slice %arg6[%dma_start3A_506, %dma_start3A_507, %dma_start3A_508] : memref<5x256x64xf32, #tpu.memory_space<vmem>> -> memref<1x256x64xf32, #tpu.memory_space<vmem>>
      %dma_start3A_510 = tpu.memref_squeeze %dma_start3A_509 : memref<1x256x64xf32, #tpu.memory_space<vmem>> -> memref<256x64xf32, #tpu.memory_space<vmem>>
      %dma_start3A_511 = arith.constant 0 : i32
      %dma_start3A_512 = tpu.memref_slice %arg4[%mul3A_505, %select_n3A_482, %dma_start3A_511] : memref<16384x50x64xf32, #tpu.memory_space<hbm>> -> memref<256x1x64xf32, #tpu.memory_space<hbm>>
      %dma_start3A_513 = tpu.memref_squeeze %dma_start3A_512 : memref<256x1x64xf32, #tpu.memory_space<hbm>> -> memref<256x64xf32, #tpu.memory_space<hbm>>
      %dma_start3A_514 = arith.constant 0 : i32
      %dma_start3A_515 = tpu.memref_slice %arg4[%mul3A_505, %select_n3A_482, %dma_start3A_514] : memref<16384x50x64xf32, #tpu.memory_space<hbm>> -> memref<256x1x64xf32, #tpu.memory_space<hbm>>
      %dma_start3A_516 = tpu.memref_squeeze %dma_start3A_515 : memref<256x1x64xf32, #tpu.memory_space<hbm>> -> memref<256x64xf32, #tpu.memory_space<hbm>>
      %dma_start3A_517 = arith.constant 0 : i32
      %dma_start3A_518 = arith.constant 0 : i32
      %dma_start3A_519 = tpu.memref_slice %arg6[%dma_start3A_506, %dma_start3A_517, %dma_start3A_518] : memref<5x256x64xf32, #tpu.memory_space<vmem>> -> memref<1x256x64xf32, #tpu.memory_space<vmem>>
      %dma_start3A_520 = tpu.memref_squeeze %dma_start3A_519 : memref<1x256x64xf32, #tpu.memory_space<vmem>> -> memref<256x64xf32, #tpu.memory_space<vmem>>
      tpu.enqueue_dma source(%dma_start3A_520 : memref<256x64xf32, #tpu.memory_space<vmem>>) target(%dma_start3A_516 : memref<256x64xf32, #tpu.memory_space<hbm>>) target_semaphore(%arg19 : memref<!tpu.dma_semaphore, #tpu.memory_space<semaphore_mem>>)
      %mul3A_521 = arith.constant 5 : i32
      %mul3A_522 = arith.muli %scan3A_200, %mul3A_521 : i32
      %add3A_523 = arith.constant 3 : i32
      %add3A_524 = arith.addi %mul3A_522, %add3A_523 : i32
      %add3A_525 = arith.constant 4 : i32
      %add3A_526 = arith.addi %add3A_524, %add3A_525 : i32
      %lt3A_527 = arith.constant 100 : i32
      %lt3A_528 = arith.cmpi slt, %add3A_526, %lt3A_527 : i32
      %ge3A_529 = arith.constant 5 : i32
      %ge3A_530 = arith.cmpi sge, %add3A_526, %ge3A_529 : i32
      %and3A_531 = arith.andi %lt3A_528, %ge3A_530 : i1
      %convert_element_type3A_532 = arith.extui %and3A_531 : i1 to i32
      %cond3A_533 = arith.constant 0 : i32
      %cond3A_534 = arith.cmpi ne, %convert_element_type3A_532, %cond3A_533 : i32
      scf.if %cond3A_534 {
        %dma_wait3A_743 = arith.constant 2 : i32
        %dma_wait3A_744 = arith.constant 0 : i32
        %dma_wait3A_745 = arith.constant 0 : i32
        %dma_wait3A_746 = arith.constant 0 : i32
        %dma_wait3A_747 = tpu.memref_slice %arg6[%dma_wait3A_743, %dma_wait3A_745, %dma_wait3A_746] : memref<5x256x64xf32, #tpu.memory_space<vmem>> -> memref<1x256x64xf32, #tpu.memory_space<vmem>>
        %dma_wait3A_748 = tpu.memref_squeeze %dma_wait3A_747 : memref<1x256x64xf32, #tpu.memory_space<vmem>> -> memref<256x64xf32, #tpu.memory_space<vmem>>
        %dma_wait3A_749 = arith.constant 0 : i32
        %dma_wait3A_750 = arith.constant 0 : i32
        %dma_wait3A_751 = tpu.memref_slice %arg4[%dma_wait3A_749, %dma_wait3A_744, %dma_wait3A_750] : memref<16384x50x64xf32, #tpu.memory_space<hbm>> -> memref<256x1x64xf32, #tpu.memory_space<hbm>>
        %dma_wait3A_752 = tpu.memref_squeeze %dma_wait3A_751 : memref<256x1x64xf32, #tpu.memory_space<hbm>> -> memref<256x64xf32, #tpu.memory_space<hbm>>
        %dma_wait3A_753 = arith.constant 0 : i32
        %dma_wait3A_754 = arith.constant 0 : i32
        %dma_wait3A_755 = tpu.memref_slice %arg4[%dma_wait3A_753, %dma_wait3A_744, %dma_wait3A_754] : memref<16384x50x64xf32, #tpu.memory_space<hbm>> -> memref<256x1x64xf32, #tpu.memory_space<hbm>>
        %dma_wait3A_756 = tpu.memref_squeeze %dma_wait3A_755 : memref<256x1x64xf32, #tpu.memory_space<hbm>> -> memref<256x64xf32, #tpu.memory_space<hbm>>
        %dma_wait3A_757 = arith.constant 0 : i32
        %dma_wait3A_758 = arith.constant 0 : i32
        %dma_wait3A_759 = tpu.memref_slice %arg6[%dma_wait3A_743, %dma_wait3A_757, %dma_wait3A_758] : memref<5x256x64xf32, #tpu.memory_space<vmem>> -> memref<1x256x64xf32, #tpu.memory_space<vmem>>
        %dma_wait3A_760 = tpu.memref_squeeze %dma_wait3A_759 : memref<1x256x64xf32, #tpu.memory_space<vmem>> -> memref<256x64xf32, #tpu.memory_space<vmem>>
        tpu.wait_dma2 semaphore(%arg19 : memref<!tpu.dma_semaphore, #tpu.memory_space<semaphore_mem>>) src(%dma_wait3A_760 : memref<256x64xf32, #tpu.memory_space<vmem>>) dst(%dma_wait3A_756 : memref<256x64xf32, #tpu.memory_space<hbm>>)
      } else {
      }
      %lt3A_535 = arith.constant 100 : i32
      %lt3A_536 = arith.cmpi slt, %add3A_526, %lt3A_535 : i32
      %convert_element_type3A_537 = arith.extui %lt3A_536 : i1 to i32
      %cond3A_538 = arith.constant 0 : i32
      %cond3A_539 = arith.cmpi ne, %convert_element_type3A_537, %cond3A_538 : i32
      scf.if %cond3A_539 {
        %jit3A_743 = arith.constant 2 : i32
        %div3A_744 = arith.divsi %add3A_526, %jit3A_743 : i32
        %sign3A_745 = arith.constant 0 : i32
        %sign3A_746 = arith.cmpi sgt, %add3A_526, %sign3A_745 : i32
        %sign3A_747 = arith.extui %sign3A_746 : i1 to i32
        %sign3A_748 = arith.constant 0 : i32
        %sign3A_749 = arith.cmpi slt, %add3A_526, %sign3A_748 : i32
        %sign3A_750 = arith.extui %sign3A_749 : i1 to i32
        %sign3A_751 = arith.subi %sign3A_747, %sign3A_750 : i32
        %sign3A_752 = arith.constant 0 : i32
        %sign3A_753 = arith.cmpi sgt, %jit3A_743, %sign3A_752 : i32
        %sign3A_754 = arith.extui %sign3A_753 : i1 to i32
        %sign3A_755 = arith.constant 0 : i32
        %sign3A_756 = arith.cmpi slt, %jit3A_743, %sign3A_755 : i32
        %sign3A_757 = arith.extui %sign3A_756 : i1 to i32
        %sign3A_758 = arith.subi %sign3A_754, %sign3A_757 : i32
        %ne3A_759 = arith.cmpi ne, %sign3A_751, %sign3A_758 : i32
        %rem3A_760 = arith.remsi %add3A_526, %jit3A_743 : i32
        %ne3A_761 = arith.constant 0 : i32
        %ne3A_762 = arith.cmpi ne, %rem3A_760, %ne3A_761 : i32
        %and3A_763 = arith.andi %ne3A_759, %ne3A_762 : i1
        %sub3A_764 = arith.constant 1 : i32
        %sub3A_765 = arith.subi %div3A_744, %sub3A_764 : i32
        %select_n3A_766 = arith.select %and3A_763, %sub3A_765, %div3A_744 : i32
        %jit3A_767 = arith.constant 2 : i32
        %eq3A_768 = arith.constant 0 : i32
        %eq3A_769 = arith.cmpi eq, %jit3A_767, %eq3A_768 : i32
        %jit3A_770 = arith.constant 1 : i32
        %select_n3A_771 = arith.select %eq3A_769, %jit3A_770, %jit3A_767 : i32
        %rem3A_772 = arith.remsi %add3A_526, %select_n3A_771 : i32
        %ne3A_773 = arith.constant 0 : i32
        %ne3A_774 = arith.cmpi ne, %rem3A_772, %ne3A_773 : i32
        %lt3A_775 = arith.constant 0 : i32
        %lt3A_776 = arith.cmpi slt, %rem3A_772, %lt3A_775 : i32
        %lt3A_777 = arith.constant 0 : i32
        %lt3A_778 = arith.cmpi slt, %select_n3A_771, %lt3A_777 : i32
        %ne3A_779 = arith.xori %lt3A_776, %lt3A_778 : i1
        %and3A_780 = arith.andi %ne3A_779, %ne3A_774 : i1
        %add3A_781 = arith.addi %rem3A_772, %select_n3A_771 : i32
        %select_n3A_782 = arith.select %and3A_780, %add3A_781, %rem3A_772 : i32
        %mul3A_783 = arith.constant 2 : i32
        %mul3A_784 = arith.muli %select_n3A_782, %mul3A_783 : i32
        %add3A_785 = arith.constant 0 : i32
        %add3A_786 = arith.addi %mul3A_784, %add3A_785 : i32
        %dma_start3A_787 = arith.constant 2 : i32
        %dma_start3A_788 = arith.constant 0 : i32
        %dma_start3A_789 = arith.constant 0 : i32
        %dma_start3A_790 = tpu.memref_slice %arg6[%dma_start3A_787, %dma_start3A_788, %dma_start3A_789] : memref<5x256x64xf32, #tpu.memory_space<vmem>> -> memref<1x128x64xf32, #tpu.memory_space<vmem>>
        %dma_start3A_791 = tpu.memref_squeeze %dma_start3A_790 : memref<1x128x64xf32, #tpu.memory_space<vmem>> -> memref<128x64xf32, #tpu.memory_space<vmem>>
        %dma_start3A_792 = arith.constant 0 : i32
        %dma_start3A_793 = tpu.memref_slice %arg5[%select_n3A_766, %add3A_786, %dma_start3A_792] : memref<50x4x128xi32, #tpu.memory_space<vmem>> -> memref<1x1x128xi32, #tpu.memory_space<vmem>>
        %dma_start3A_794 = tpu.memref_squeeze %dma_start3A_793 : memref<1x1x128xi32, #tpu.memory_space<vmem>> -> memref<128xi32, #tpu.memory_space<vmem>>
        %dma_start3A_795 = arith.constant 0 : i32
        %dma_start3A_796 = arith.constant 0 : i32
        %dma_start3A_797 = tpu.memref_slice %arg3[%dma_start3A_795, %dma_start3A_796] : memref<1000000x64xf32, #tpu.memory_space<hbm>> -> memref<1000000x64xf32, #tpu.memory_space<hbm>>
        tpu.enqueue_indirect_dma source(%dma_start3A_797 : memref<1000000x64xf32, #tpu.memory_space<hbm>>) target(%dma_start3A_791 : memref<128x64xf32, #tpu.memory_space<vmem>>) offsets(%dma_start3A_794 : memref<128xi32, #tpu.memory_space<vmem>>) semaphore(%arg11 : memref<!tpu.dma_semaphore, #tpu.memory_space<semaphore_mem>>)
        %mul3A_798 = arith.constant 2 : i32
        %mul3A_799 = arith.muli %select_n3A_782, %mul3A_798 : i32
        %add3A_800 = arith.constant 1 : i32
        %add3A_801 = arith.addi %mul3A_799, %add3A_800 : i32
        %dma_start3A_802 = arith.constant 2 : i32
        %dma_start3A_803 = arith.constant 128 : i32
        %dma_start3A_804 = arith.constant 0 : i32
        %dma_start3A_805 = tpu.memref_slice %arg6[%dma_start3A_802, %dma_start3A_803, %dma_start3A_804] : memref<5x256x64xf32, #tpu.memory_space<vmem>> -> memref<1x128x64xf32, #tpu.memory_space<vmem>>
        %dma_start3A_806 = tpu.memref_squeeze %dma_start3A_805 : memref<1x128x64xf32, #tpu.memory_space<vmem>> -> memref<128x64xf32, #tpu.memory_space<vmem>>
        %dma_start3A_807 = arith.constant 0 : i32
        %dma_start3A_808 = tpu.memref_slice %arg5[%select_n3A_766, %add3A_801, %dma_start3A_807] : memref<50x4x128xi32, #tpu.memory_space<vmem>> -> memref<1x1x128xi32, #tpu.memory_space<vmem>>
        %dma_start3A_809 = tpu.memref_squeeze %dma_start3A_808 : memref<1x1x128xi32, #tpu.memory_space<vmem>> -> memref<128xi32, #tpu.memory_space<vmem>>
        %dma_start3A_810 = arith.constant 0 : i32
        %dma_start3A_811 = arith.constant 0 : i32
        %dma_start3A_812 = tpu.memref_slice %arg3[%dma_start3A_810, %dma_start3A_811] : memref<1000000x64xf32, #tpu.memory_space<hbm>> -> memref<1000000x64xf32, #tpu.memory_space<hbm>>
        tpu.enqueue_indirect_dma source(%dma_start3A_812 : memref<1000000x64xf32, #tpu.memory_space<hbm>>) target(%dma_start3A_806 : memref<128x64xf32, #tpu.memory_space<vmem>>) offsets(%dma_start3A_809 : memref<128xi32, #tpu.memory_space<vmem>>) semaphore(%arg12 : memref<!tpu.dma_semaphore, #tpu.memory_space<semaphore_mem>>)
      } else {
      }
      %dma_wait3A_540 = arith.constant 3 : i32
      %dma_wait3A_541 = arith.constant 0 : i32
      %dma_wait3A_542 = arith.constant 0 : i32
      %dma_wait3A_543 = tpu.memref_slice %arg6[%dma_wait3A_540, %dma_wait3A_541, %dma_wait3A_542] : memref<5x256x64xf32, #tpu.memory_space<vmem>> -> memref<1x128x64xf32, #tpu.memory_space<vmem>>
      %dma_wait3A_544 = tpu.memref_squeeze %dma_wait3A_543 : memref<1x128x64xf32, #tpu.memory_space<vmem>> -> memref<128x64xf32, #tpu.memory_space<vmem>>
      %dma_wait3A_545 = arith.constant 0 : i32
      %dma_wait3A_546 = arith.constant 0 : i32
      %dma_wait3A_547 = tpu.memref_slice %arg3[%dma_wait3A_545, %dma_wait3A_546] : memref<1000000x64xf32, #tpu.memory_space<hbm>> -> memref<128x64xf32, #tpu.memory_space<hbm>>
      %dma_wait3A_548 = arith.constant 0 : i32
      %dma_wait3A_549 = arith.constant 0 : i32
      %dma_wait3A_550 = tpu.memref_slice %arg6[%dma_wait3A_540, %dma_wait3A_548, %dma_wait3A_549] : memref<5x256x64xf32, #tpu.memory_space<vmem>> -> memref<1x128x64xf32, #tpu.memory_space<vmem>>
      %dma_wait3A_551 = tpu.memref_squeeze %dma_wait3A_550 : memref<1x128x64xf32, #tpu.memory_space<vmem>> -> memref<128x64xf32, #tpu.memory_space<vmem>>
      %dma_wait3A_552 = arith.constant 0 : i32
      %dma_wait3A_553 = arith.constant 0 : i32
      %dma_wait3A_554 = tpu.memref_slice %arg3[%dma_wait3A_552, %dma_wait3A_553] : memref<1000000x64xf32, #tpu.memory_space<hbm>> -> memref<128x64xf32, #tpu.memory_space<hbm>>
      tpu.wait_dma2 semaphore(%arg13 : memref<!tpu.dma_semaphore, #tpu.memory_space<semaphore_mem>>) src(%dma_wait3A_554 : memref<128x64xf32, #tpu.memory_space<hbm>>) dst(%dma_wait3A_551 : memref<128x64xf32, #tpu.memory_space<vmem>>)
      %dma_wait3A_555 = arith.constant 3 : i32
      %dma_wait3A_556 = arith.constant 128 : i32
      %dma_wait3A_557 = arith.constant 0 : i32
      %dma_wait3A_558 = tpu.memref_slice %arg6[%dma_wait3A_555, %dma_wait3A_556, %dma_wait3A_557] : memref<5x256x64xf32, #tpu.memory_space<vmem>> -> memref<1x128x64xf32, #tpu.memory_space<vmem>>
      %dma_wait3A_559 = tpu.memref_squeeze %dma_wait3A_558 : memref<1x128x64xf32, #tpu.memory_space<vmem>> -> memref<128x64xf32, #tpu.memory_space<vmem>>
      %dma_wait3A_560 = arith.constant 0 : i32
      %dma_wait3A_561 = arith.constant 0 : i32
      %dma_wait3A_562 = tpu.memref_slice %arg3[%dma_wait3A_560, %dma_wait3A_561] : memref<1000000x64xf32, #tpu.memory_space<hbm>> -> memref<128x64xf32, #tpu.memory_space<hbm>>
      %dma_wait3A_563 = arith.constant 128 : i32
      %dma_wait3A_564 = arith.constant 0 : i32
      %dma_wait3A_565 = tpu.memref_slice %arg6[%dma_wait3A_555, %dma_wait3A_563, %dma_wait3A_564] : memref<5x256x64xf32, #tpu.memory_space<vmem>> -> memref<1x128x64xf32, #tpu.memory_space<vmem>>
      %dma_wait3A_566 = tpu.memref_squeeze %dma_wait3A_565 : memref<1x128x64xf32, #tpu.memory_space<vmem>> -> memref<128x64xf32, #tpu.memory_space<vmem>>
      %dma_wait3A_567 = arith.constant 0 : i32
      %dma_wait3A_568 = arith.constant 0 : i32
      %dma_wait3A_569 = tpu.memref_slice %arg3[%dma_wait3A_567, %dma_wait3A_568] : memref<1000000x64xf32, #tpu.memory_space<hbm>> -> memref<128x64xf32, #tpu.memory_space<hbm>>
      tpu.wait_dma2 semaphore(%arg14 : memref<!tpu.dma_semaphore, #tpu.memory_space<semaphore_mem>>) src(%dma_wait3A_569 : memref<128x64xf32, #tpu.memory_space<hbm>>) dst(%dma_wait3A_566 : memref<128x64xf32, #tpu.memory_space<vmem>>)
      %jit3A_570 = arith.constant 2 : i32
      %div3A_571 = arith.divsi %add3A_524, %jit3A_570 : i32
      %sign3A_572 = arith.constant 0 : i32
      %sign3A_573 = arith.cmpi sgt, %add3A_524, %sign3A_572 : i32
      %sign3A_574 = arith.extui %sign3A_573 : i1 to i32
      %sign3A_575 = arith.constant 0 : i32
      %sign3A_576 = arith.cmpi slt, %add3A_524, %sign3A_575 : i32
      %sign3A_577 = arith.extui %sign3A_576 : i1 to i32
      %sign3A_578 = arith.subi %sign3A_574, %sign3A_577 : i32
      %sign3A_579 = arith.constant 0 : i32
      %sign3A_580 = arith.cmpi sgt, %jit3A_570, %sign3A_579 : i32
      %sign3A_581 = arith.extui %sign3A_580 : i1 to i32
      %sign3A_582 = arith.constant 0 : i32
      %sign3A_583 = arith.cmpi slt, %jit3A_570, %sign3A_582 : i32
      %sign3A_584 = arith.extui %sign3A_583 : i1 to i32
      %sign3A_585 = arith.subi %sign3A_581, %sign3A_584 : i32
      %ne3A_586 = arith.cmpi ne, %sign3A_578, %sign3A_585 : i32
      %rem3A_587 = arith.remsi %add3A_524, %jit3A_570 : i32
      %ne3A_588 = arith.constant 0 : i32
      %ne3A_589 = arith.cmpi ne, %rem3A_587, %ne3A_588 : i32
      %and3A_590 = arith.andi %ne3A_586, %ne3A_589 : i1
      %sub3A_591 = arith.constant 1 : i32
      %sub3A_592 = arith.subi %div3A_571, %sub3A_591 : i32
      %select_n3A_593 = arith.select %and3A_590, %sub3A_592, %div3A_571 : i32
      %jit3A_594 = arith.constant 2 : i32
      %eq3A_595 = arith.constant 0 : i32
      %eq3A_596 = arith.cmpi eq, %jit3A_594, %eq3A_595 : i32
      %jit3A_597 = arith.constant 1 : i32
      %select_n3A_598 = arith.select %eq3A_596, %jit3A_597, %jit3A_594 : i32
      %rem3A_599 = arith.remsi %add3A_524, %select_n3A_598 : i32
      %ne3A_600 = arith.constant 0 : i32
      %ne3A_601 = arith.cmpi ne, %rem3A_599, %ne3A_600 : i32
      %lt3A_602 = arith.constant 0 : i32
      %lt3A_603 = arith.cmpi slt, %rem3A_599, %lt3A_602 : i32
      %lt3A_604 = arith.constant 0 : i32
      %lt3A_605 = arith.cmpi slt, %select_n3A_598, %lt3A_604 : i32
      %ne3A_606 = arith.xori %lt3A_603, %lt3A_605 : i1
      %and3A_607 = arith.andi %ne3A_606, %ne3A_601 : i1
      %add3A_608 = arith.addi %rem3A_599, %select_n3A_598 : i32
      %select_n3A_609 = arith.select %and3A_607, %add3A_608, %rem3A_599 : i32
      %mul3A_610 = arith.constant 4 : i32
      %mul3A_611 = arith.muli %add3A, %mul3A_610 : i32
      %mul3A_612 = arith.constant 2 : i32
      %mul3A_613 = arith.muli %select_n3A_609, %mul3A_612 : i32
      %add3A_614 = arith.addi %mul3A_611, %mul3A_613 : i32
      %mul3A_615 = arith.constant 128 : i32
      %mul3A_616 = arith.muli %add3A_614, %mul3A_615 : i32
      %dma_start3A_617 = arith.constant 3 : i32
      %dma_start3A_618 = arith.constant 0 : i32
      %dma_start3A_619 = arith.constant 0 : i32
      %dma_start3A_620 = tpu.memref_slice %arg6[%dma_start3A_617, %dma_start3A_618, %dma_start3A_619] : memref<5x256x64xf32, #tpu.memory_space<vmem>> -> memref<1x256x64xf32, #tpu.memory_space<vmem>>
      %dma_start3A_621 = tpu.memref_squeeze %dma_start3A_620 : memref<1x256x64xf32, #tpu.memory_space<vmem>> -> memref<256x64xf32, #tpu.memory_space<vmem>>
      %dma_start3A_622 = arith.constant 0 : i32
      %dma_start3A_623 = tpu.memref_slice %arg4[%mul3A_616, %select_n3A_593, %dma_start3A_622] : memref<16384x50x64xf32, #tpu.memory_space<hbm>> -> memref<256x1x64xf32, #tpu.memory_space<hbm>>
      %dma_start3A_624 = tpu.memref_squeeze %dma_start3A_623 : memref<256x1x64xf32, #tpu.memory_space<hbm>> -> memref<256x64xf32, #tpu.memory_space<hbm>>
      %dma_start3A_625 = arith.constant 0 : i32
      %dma_start3A_626 = tpu.memref_slice %arg4[%mul3A_616, %select_n3A_593, %dma_start3A_625] : memref<16384x50x64xf32, #tpu.memory_space<hbm>> -> memref<256x1x64xf32, #tpu.memory_space<hbm>>
      %dma_start3A_627 = tpu.memref_squeeze %dma_start3A_626 : memref<256x1x64xf32, #tpu.memory_space<hbm>> -> memref<256x64xf32, #tpu.memory_space<hbm>>
      %dma_start3A_628 = arith.constant 0 : i32
      %dma_start3A_629 = arith.constant 0 : i32
      %dma_start3A_630 = tpu.memref_slice %arg6[%dma_start3A_617, %dma_start3A_628, %dma_start3A_629] : memref<5x256x64xf32, #tpu.memory_space<vmem>> -> memref<1x256x64xf32, #tpu.memory_space<vmem>>
      %dma_start3A_631 = tpu.memref_squeeze %dma_start3A_630 : memref<1x256x64xf32, #tpu.memory_space<vmem>> -> memref<256x64xf32, #tpu.memory_space<vmem>>
      tpu.enqueue_dma source(%dma_start3A_631 : memref<256x64xf32, #tpu.memory_space<vmem>>) target(%dma_start3A_627 : memref<256x64xf32, #tpu.memory_space<hbm>>) target_semaphore(%arg20 : memref<!tpu.dma_semaphore, #tpu.memory_space<semaphore_mem>>)
      %mul3A_632 = arith.constant 5 : i32
      %mul3A_633 = arith.muli %scan3A_200, %mul3A_632 : i32
      %add3A_634 = arith.constant 4 : i32
      %add3A_635 = arith.addi %mul3A_633, %add3A_634 : i32
      %add3A_636 = arith.constant 4 : i32
      %add3A_637 = arith.addi %add3A_635, %add3A_636 : i32
      %lt3A_638 = arith.constant 100 : i32
      %lt3A_639 = arith.cmpi slt, %add3A_637, %lt3A_638 : i32
      %ge3A_640 = arith.constant 5 : i32
      %ge3A_641 = arith.cmpi sge, %add3A_637, %ge3A_640 : i32
      %and3A_642 = arith.andi %lt3A_639, %ge3A_641 : i1
      %convert_element_type3A_643 = arith.extui %and3A_642 : i1 to i32
      %cond3A_644 = arith.constant 0 : i32
      %cond3A_645 = arith.cmpi ne, %convert_element_type3A_643, %cond3A_644 : i32
      scf.if %cond3A_645 {
        %dma_wait3A_743 = arith.constant 3 : i32
        %dma_wait3A_744 = arith.constant 0 : i32
        %dma_wait3A_745 = arith.constant 0 : i32
        %dma_wait3A_746 = arith.constant 0 : i32
        %dma_wait3A_747 = tpu.memref_slice %arg6[%dma_wait3A_743, %dma_wait3A_745, %dma_wait3A_746] : memref<5x256x64xf32, #tpu.memory_space<vmem>> -> memref<1x256x64xf32, #tpu.memory_space<vmem>>
        %dma_wait3A_748 = tpu.memref_squeeze %dma_wait3A_747 : memref<1x256x64xf32, #tpu.memory_space<vmem>> -> memref<256x64xf32, #tpu.memory_space<vmem>>
        %dma_wait3A_749 = arith.constant 0 : i32
        %dma_wait3A_750 = arith.constant 0 : i32
        %dma_wait3A_751 = tpu.memref_slice %arg4[%dma_wait3A_749, %dma_wait3A_744, %dma_wait3A_750] : memref<16384x50x64xf32, #tpu.memory_space<hbm>> -> memref<256x1x64xf32, #tpu.memory_space<hbm>>
        %dma_wait3A_752 = tpu.memref_squeeze %dma_wait3A_751 : memref<256x1x64xf32, #tpu.memory_space<hbm>> -> memref<256x64xf32, #tpu.memory_space<hbm>>
        %dma_wait3A_753 = arith.constant 0 : i32
        %dma_wait3A_754 = arith.constant 0 : i32
        %dma_wait3A_755 = tpu.memref_slice %arg4[%dma_wait3A_753, %dma_wait3A_744, %dma_wait3A_754] : memref<16384x50x64xf32, #tpu.memory_space<hbm>> -> memref<256x1x64xf32, #tpu.memory_space<hbm>>
        %dma_wait3A_756 = tpu.memref_squeeze %dma_wait3A_755 : memref<256x1x64xf32, #tpu.memory_space<hbm>> -> memref<256x64xf32, #tpu.memory_space<hbm>>
        %dma_wait3A_757 = arith.constant 0 : i32
        %dma_wait3A_758 = arith.constant 0 : i32
        %dma_wait3A_759 = tpu.memref_slice %arg6[%dma_wait3A_743, %dma_wait3A_757, %dma_wait3A_758] : memref<5x256x64xf32, #tpu.memory_space<vmem>> -> memref<1x256x64xf32, #tpu.memory_space<vmem>>
        %dma_wait3A_760 = tpu.memref_squeeze %dma_wait3A_759 : memref<1x256x64xf32, #tpu.memory_space<vmem>> -> memref<256x64xf32, #tpu.memory_space<vmem>>
        tpu.wait_dma2 semaphore(%arg20 : memref<!tpu.dma_semaphore, #tpu.memory_space<semaphore_mem>>) src(%dma_wait3A_760 : memref<256x64xf32, #tpu.memory_space<vmem>>) dst(%dma_wait3A_756 : memref<256x64xf32, #tpu.memory_space<hbm>>)
      } else {
      }
      %lt3A_646 = arith.constant 100 : i32
      %lt3A_647 = arith.cmpi slt, %add3A_637, %lt3A_646 : i32
      %convert_element_type3A_648 = arith.extui %lt3A_647 : i1 to i32
      %cond3A_649 = arith.constant 0 : i32
      %cond3A_650 = arith.cmpi ne, %convert_element_type3A_648, %cond3A_649 : i32
      scf.if %cond3A_650 {
        %jit3A_743 = arith.constant 2 : i32
        %div3A_744 = arith.divsi %add3A_637, %jit3A_743 : i32
        %sign3A_745 = arith.constant 0 : i32
        %sign3A_746 = arith.cmpi sgt, %add3A_637, %sign3A_745 : i32
        %sign3A_747 = arith.extui %sign3A_746 : i1 to i32
        %sign3A_748 = arith.constant 0 : i32
        %sign3A_749 = arith.cmpi slt, %add3A_637, %sign3A_748 : i32
        %sign3A_750 = arith.extui %sign3A_749 : i1 to i32
        %sign3A_751 = arith.subi %sign3A_747, %sign3A_750 : i32
        %sign3A_752 = arith.constant 0 : i32
        %sign3A_753 = arith.cmpi sgt, %jit3A_743, %sign3A_752 : i32
        %sign3A_754 = arith.extui %sign3A_753 : i1 to i32
        %sign3A_755 = arith.constant 0 : i32
        %sign3A_756 = arith.cmpi slt, %jit3A_743, %sign3A_755 : i32
        %sign3A_757 = arith.extui %sign3A_756 : i1 to i32
        %sign3A_758 = arith.subi %sign3A_754, %sign3A_757 : i32
        %ne3A_759 = arith.cmpi ne, %sign3A_751, %sign3A_758 : i32
        %rem3A_760 = arith.remsi %add3A_637, %jit3A_743 : i32
        %ne3A_761 = arith.constant 0 : i32
        %ne3A_762 = arith.cmpi ne, %rem3A_760, %ne3A_761 : i32
        %and3A_763 = arith.andi %ne3A_759, %ne3A_762 : i1
        %sub3A_764 = arith.constant 1 : i32
        %sub3A_765 = arith.subi %div3A_744, %sub3A_764 : i32
        %select_n3A_766 = arith.select %and3A_763, %sub3A_765, %div3A_744 : i32
        %jit3A_767 = arith.constant 2 : i32
        %eq3A_768 = arith.constant 0 : i32
        %eq3A_769 = arith.cmpi eq, %jit3A_767, %eq3A_768 : i32
        %jit3A_770 = arith.constant 1 : i32
        %select_n3A_771 = arith.select %eq3A_769, %jit3A_770, %jit3A_767 : i32
        %rem3A_772 = arith.remsi %add3A_637, %select_n3A_771 : i32
        %ne3A_773 = arith.constant 0 : i32
        %ne3A_774 = arith.cmpi ne, %rem3A_772, %ne3A_773 : i32
        %lt3A_775 = arith.constant 0 : i32
        %lt3A_776 = arith.cmpi slt, %rem3A_772, %lt3A_775 : i32
        %lt3A_777 = arith.constant 0 : i32
        %lt3A_778 = arith.cmpi slt, %select_n3A_771, %lt3A_777 : i32
        %ne3A_779 = arith.xori %lt3A_776, %lt3A_778 : i1
        %and3A_780 = arith.andi %ne3A_779, %ne3A_774 : i1
        %add3A_781 = arith.addi %rem3A_772, %select_n3A_771 : i32
        %select_n3A_782 = arith.select %and3A_780, %add3A_781, %rem3A_772 : i32
        %mul3A_783 = arith.constant 2 : i32
        %mul3A_784 = arith.muli %select_n3A_782, %mul3A_783 : i32
        %add3A_785 = arith.constant 0 : i32
        %add3A_786 = arith.addi %mul3A_784, %add3A_785 : i32
        %dma_start3A_787 = arith.constant 3 : i32
        %dma_start3A_788 = arith.constant 0 : i32
        %dma_start3A_789 = arith.constant 0 : i32
        %dma_start3A_790 = tpu.memref_slice %arg6[%dma_start3A_787, %dma_start3A_788, %dma_start3A_789] : memref<5x256x64xf32, #tpu.memory_space<vmem>> -> memref<1x128x64xf32, #tpu.memory_space<vmem>>
        %dma_start3A_791 = tpu.memref_squeeze %dma_start3A_790 : memref<1x128x64xf32, #tpu.memory_space<vmem>> -> memref<128x64xf32, #tpu.memory_space<vmem>>
        %dma_start3A_792 = arith.constant 0 : i32
        %dma_start3A_793 = tpu.memref_slice %arg5[%select_n3A_766, %add3A_786, %dma_start3A_792] : memref<50x4x128xi32, #tpu.memory_space<vmem>> -> memref<1x1x128xi32, #tpu.memory_space<vmem>>
        %dma_start3A_794 = tpu.memref_squeeze %dma_start3A_793 : memref<1x1x128xi32, #tpu.memory_space<vmem>> -> memref<128xi32, #tpu.memory_space<vmem>>
        %dma_start3A_795 = arith.constant 0 : i32
        %dma_start3A_796 = arith.constant 0 : i32
        %dma_start3A_797 = tpu.memref_slice %arg3[%dma_start3A_795, %dma_start3A_796] : memref<1000000x64xf32, #tpu.memory_space<hbm>> -> memref<1000000x64xf32, #tpu.memory_space<hbm>>
        tpu.enqueue_indirect_dma source(%dma_start3A_797 : memref<1000000x64xf32, #tpu.memory_space<hbm>>) target(%dma_start3A_791 : memref<128x64xf32, #tpu.memory_space<vmem>>) offsets(%dma_start3A_794 : memref<128xi32, #tpu.memory_space<vmem>>) semaphore(%arg13 : memref<!tpu.dma_semaphore, #tpu.memory_space<semaphore_mem>>)
        %mul3A_798 = arith.constant 2 : i32
        %mul3A_799 = arith.muli %select_n3A_782, %mul3A_798 : i32
        %add3A_800 = arith.constant 1 : i32
        %add3A_801 = arith.addi %mul3A_799, %add3A_800 : i32
        %dma_start3A_802 = arith.constant 3 : i32
        %dma_start3A_803 = arith.constant 128 : i32
        %dma_start3A_804 = arith.constant 0 : i32
        %dma_start3A_805 = tpu.memref_slice %arg6[%dma_start3A_802, %dma_start3A_803, %dma_start3A_804] : memref<5x256x64xf32, #tpu.memory_space<vmem>> -> memref<1x128x64xf32, #tpu.memory_space<vmem>>
        %dma_start3A_806 = tpu.memref_squeeze %dma_start3A_805 : memref<1x128x64xf32, #tpu.memory_space<vmem>> -> memref<128x64xf32, #tpu.memory_space<vmem>>
        %dma_start3A_807 = arith.constant 0 : i32
        %dma_start3A_808 = tpu.memref_slice %arg5[%select_n3A_766, %add3A_801, %dma_start3A_807] : memref<50x4x128xi32, #tpu.memory_space<vmem>> -> memref<1x1x128xi32, #tpu.memory_space<vmem>>
        %dma_start3A_809 = tpu.memref_squeeze %dma_start3A_808 : memref<1x1x128xi32, #tpu.memory_space<vmem>> -> memref<128xi32, #tpu.memory_space<vmem>>
        %dma_start3A_810 = arith.constant 0 : i32
        %dma_start3A_811 = arith.constant 0 : i32
        %dma_start3A_812 = tpu.memref_slice %arg3[%dma_start3A_810, %dma_start3A_811] : memref<1000000x64xf32, #tpu.memory_space<hbm>> -> memref<1000000x64xf32, #tpu.memory_space<hbm>>
        tpu.enqueue_indirect_dma source(%dma_start3A_812 : memref<1000000x64xf32, #tpu.memory_space<hbm>>) target(%dma_start3A_806 : memref<128x64xf32, #tpu.memory_space<vmem>>) offsets(%dma_start3A_809 : memref<128xi32, #tpu.memory_space<vmem>>) semaphore(%arg14 : memref<!tpu.dma_semaphore, #tpu.memory_space<semaphore_mem>>)
      } else {
      }
      %dma_wait3A_651 = arith.constant 4 : i32
      %dma_wait3A_652 = arith.constant 0 : i32
      %dma_wait3A_653 = arith.constant 0 : i32
      %dma_wait3A_654 = tpu.memref_slice %arg6[%dma_wait3A_651, %dma_wait3A_652, %dma_wait3A_653] : memref<5x256x64xf32, #tpu.memory_space<vmem>> -> memref<1x128x64xf32, #tpu.memory_space<vmem>>
      %dma_wait3A_655 = tpu.memref_squeeze %dma_wait3A_654 : memref<1x128x64xf32, #tpu.memory_space<vmem>> -> memref<128x64xf32, #tpu.memory_space<vmem>>
      %dma_wait3A_656 = arith.constant 0 : i32
      %dma_wait3A_657 = arith.constant 0 : i32
      %dma_wait3A_658 = tpu.memref_slice %arg3[%dma_wait3A_656, %dma_wait3A_657] : memref<1000000x64xf32, #tpu.memory_space<hbm>> -> memref<128x64xf32, #tpu.memory_space<hbm>>
      %dma_wait3A_659 = arith.constant 0 : i32
      %dma_wait3A_660 = arith.constant 0 : i32
      %dma_wait3A_661 = tpu.memref_slice %arg6[%dma_wait3A_651, %dma_wait3A_659, %dma_wait3A_660] : memref<5x256x64xf32, #tpu.memory_space<vmem>> -> memref<1x128x64xf32, #tpu.memory_space<vmem>>
      %dma_wait3A_662 = tpu.memref_squeeze %dma_wait3A_661 : memref<1x128x64xf32, #tpu.memory_space<vmem>> -> memref<128x64xf32, #tpu.memory_space<vmem>>
      %dma_wait3A_663 = arith.constant 0 : i32
      %dma_wait3A_664 = arith.constant 0 : i32
      %dma_wait3A_665 = tpu.memref_slice %arg3[%dma_wait3A_663, %dma_wait3A_664] : memref<1000000x64xf32, #tpu.memory_space<hbm>> -> memref<128x64xf32, #tpu.memory_space<hbm>>
      tpu.wait_dma2 semaphore(%arg15 : memref<!tpu.dma_semaphore, #tpu.memory_space<semaphore_mem>>) src(%dma_wait3A_665 : memref<128x64xf32, #tpu.memory_space<hbm>>) dst(%dma_wait3A_662 : memref<128x64xf32, #tpu.memory_space<vmem>>)
      %dma_wait3A_666 = arith.constant 4 : i32
      %dma_wait3A_667 = arith.constant 128 : i32
      %dma_wait3A_668 = arith.constant 0 : i32
      %dma_wait3A_669 = tpu.memref_slice %arg6[%dma_wait3A_666, %dma_wait3A_667, %dma_wait3A_668] : memref<5x256x64xf32, #tpu.memory_space<vmem>> -> memref<1x128x64xf32, #tpu.memory_space<vmem>>
      %dma_wait3A_670 = tpu.memref_squeeze %dma_wait3A_669 : memref<1x128x64xf32, #tpu.memory_space<vmem>> -> memref<128x64xf32, #tpu.memory_space<vmem>>
      %dma_wait3A_671 = arith.constant 0 : i32
      %dma_wait3A_672 = arith.constant 0 : i32
      %dma_wait3A_673 = tpu.memref_slice %arg3[%dma_wait3A_671, %dma_wait3A_672] : memref<1000000x64xf32, #tpu.memory_space<hbm>> -> memref<128x64xf32, #tpu.memory_space<hbm>>
      %dma_wait3A_674 = arith.constant 128 : i32
      %dma_wait3A_675 = arith.constant 0 : i32
      %dma_wait3A_676 = tpu.memref_slice %arg6[%dma_wait3A_666, %dma_wait3A_674, %dma_wait3A_675] : memref<5x256x64xf32, #tpu.memory_space<vmem>> -> memref<1x128x64xf32, #tpu.memory_space<vmem>>
      %dma_wait3A_677 = tpu.memref_squeeze %dma_wait3A_676 : memref<1x128x64xf32, #tpu.memory_space<vmem>> -> memref<128x64xf32, #tpu.memory_space<vmem>>
      %dma_wait3A_678 = arith.constant 0 : i32
      %dma_wait3A_679 = arith.constant 0 : i32
      %dma_wait3A_680 = tpu.memref_slice %arg3[%dma_wait3A_678, %dma_wait3A_679] : memref<1000000x64xf32, #tpu.memory_space<hbm>> -> memref<128x64xf32, #tpu.memory_space<hbm>>
      tpu.wait_dma2 semaphore(%arg16 : memref<!tpu.dma_semaphore, #tpu.memory_space<semaphore_mem>>) src(%dma_wait3A_680 : memref<128x64xf32, #tpu.memory_space<hbm>>) dst(%dma_wait3A_677 : memref<128x64xf32, #tpu.memory_space<vmem>>)
      %jit3A_681 = arith.constant 2 : i32
      %div3A_682 = arith.divsi %add3A_635, %jit3A_681 : i32
      %sign3A_683 = arith.constant 0 : i32
      %sign3A_684 = arith.cmpi sgt, %add3A_635, %sign3A_683 : i32
      %sign3A_685 = arith.extui %sign3A_684 : i1 to i32
      %sign3A_686 = arith.constant 0 : i32
      %sign3A_687 = arith.cmpi slt, %add3A_635, %sign3A_686 : i32
      %sign3A_688 = arith.extui %sign3A_687 : i1 to i32
      %sign3A_689 = arith.subi %sign3A_685, %sign3A_688 : i32
      %sign3A_690 = arith.constant 0 : i32
      %sign3A_691 = arith.cmpi sgt, %jit3A_681, %sign3A_690 : i32
      %sign3A_692 = arith.extui %sign3A_691 : i1 to i32
      %sign3A_693 = arith.constant 0 : i32
      %sign3A_694 = arith.cmpi slt, %jit3A_681, %sign3A_693 : i32
      %sign3A_695 = arith.extui %sign3A_694 : i1 to i32
      %sign3A_696 = arith.subi %sign3A_692, %sign3A_695 : i32
      %ne3A_697 = arith.cmpi ne, %sign3A_689, %sign3A_696 : i32
      %rem3A_698 = arith.remsi %add3A_635, %jit3A_681 : i32
      %ne3A_699 = arith.constant 0 : i32
      %ne3A_700 = arith.cmpi ne, %rem3A_698, %ne3A_699 : i32
      %and3A_701 = arith.andi %ne3A_697, %ne3A_700 : i1
      %sub3A_702 = arith.constant 1 : i32
      %sub3A_703 = arith.subi %div3A_682, %sub3A_702 : i32
      %select_n3A_704 = arith.select %and3A_701, %sub3A_703, %div3A_682 : i32
      %jit3A_705 = arith.constant 2 : i32
      %eq3A_706 = arith.constant 0 : i32
      %eq3A_707 = arith.cmpi eq, %jit3A_705, %eq3A_706 : i32
      %jit3A_708 = arith.constant 1 : i32
      %select_n3A_709 = arith.select %eq3A_707, %jit3A_708, %jit3A_705 : i32
      %rem3A_710 = arith.remsi %add3A_635, %select_n3A_709 : i32
      %ne3A_711 = arith.constant 0 : i32
      %ne3A_712 = arith.cmpi ne, %rem3A_710, %ne3A_711 : i32
      %lt3A_713 = arith.constant 0 : i32
      %lt3A_714 = arith.cmpi slt, %rem3A_710, %lt3A_713 : i32
      %lt3A_715 = arith.constant 0 : i32
      %lt3A_716 = arith.cmpi slt, %select_n3A_709, %lt3A_715 : i32
      %ne3A_717 = arith.xori %lt3A_714, %lt3A_716 : i1
      %and3A_718 = arith.andi %ne3A_717, %ne3A_712 : i1
      %add3A_719 = arith.addi %rem3A_710, %select_n3A_709 : i32
      %select_n3A_720 = arith.select %and3A_718, %add3A_719, %rem3A_710 : i32
      %mul3A_721 = arith.constant 4 : i32
      %mul3A_722 = arith.muli %add3A, %mul3A_721 : i32
      %mul3A_723 = arith.constant 2 : i32
      %mul3A_724 = arith.muli %select_n3A_720, %mul3A_723 : i32
      %add3A_725 = arith.addi %mul3A_722, %mul3A_724 : i32
      %mul3A_726 = arith.constant 128 : i32
      %mul3A_727 = arith.muli %add3A_725, %mul3A_726 : i32
      %dma_start3A_728 = arith.constant 4 : i32
      %dma_start3A_729 = arith.constant 0 : i32
      %dma_start3A_730 = arith.constant 0 : i32
      %dma_start3A_731 = tpu.memref_slice %arg6[%dma_start3A_728, %dma_start3A_729, %dma_start3A_730] : memref<5x256x64xf32, #tpu.memory_space<vmem>> -> memref<1x256x64xf32, #tpu.memory_space<vmem>>
      %dma_start3A_732 = tpu.memref_squeeze %dma_start3A_731 : memref<1x256x64xf32, #tpu.memory_space<vmem>> -> memref<256x64xf32, #tpu.memory_space<vmem>>
      %dma_start3A_733 = arith.constant 0 : i32
      %dma_start3A_734 = tpu.memref_slice %arg4[%mul3A_727, %select_n3A_704, %dma_start3A_733] : memref<16384x50x64xf32, #tpu.memory_space<hbm>> -> memref<256x1x64xf32, #tpu.memory_space<hbm>>
      %dma_start3A_735 = tpu.memref_squeeze %dma_start3A_734 : memref<256x1x64xf32, #tpu.memory_space<hbm>> -> memref<256x64xf32, #tpu.memory_space<hbm>>
      %dma_start3A_736 = arith.constant 0 : i32
      %dma_start3A_737 = tpu.memref_slice %arg4[%mul3A_727, %select_n3A_704, %dma_start3A_736] : memref<16384x50x64xf32, #tpu.memory_space<hbm>> -> memref<256x1x64xf32, #tpu.memory_space<hbm>>
      %dma_start3A_738 = tpu.memref_squeeze %dma_start3A_737 : memref<256x1x64xf32, #tpu.memory_space<hbm>> -> memref<256x64xf32, #tpu.memory_space<hbm>>
      %dma_start3A_739 = arith.constant 0 : i32
      %dma_start3A_740 = arith.constant 0 : i32
      %dma_start3A_741 = tpu.memref_slice %arg6[%dma_start3A_728, %dma_start3A_739, %dma_start3A_740] : memref<5x256x64xf32, #tpu.memory_space<vmem>> -> memref<1x256x64xf32, #tpu.memory_space<vmem>>
      %dma_start3A_742 = tpu.memref_squeeze %dma_start3A_741 : memref<1x256x64xf32, #tpu.memory_space<vmem>> -> memref<256x64xf32, #tpu.memory_space<vmem>>
      tpu.enqueue_dma source(%dma_start3A_742 : memref<256x64xf32, #tpu.memory_space<vmem>>) target(%dma_start3A_738 : memref<256x64xf32, #tpu.memory_space<hbm>>) target_semaphore(%arg21 : memref<!tpu.dma_semaphore, #tpu.memory_space<semaphore_mem>>)
    }
    %scan3A_110 = arith.constant 20 : i32
    %dma_wait3A = arith.constant 0 : i32
    %dma_wait3A_111 = arith.constant 0 : i32
    %dma_wait3A_112 = arith.constant 0 : i32
    %dma_wait3A_113 = arith.constant 0 : i32
    %dma_wait3A_114 = tpu.memref_slice %arg6[%dma_wait3A, %dma_wait3A_112, %dma_wait3A_113] : memref<5x256x64xf32, #tpu.memory_space<vmem>> -> memref<1x256x64xf32, #tpu.memory_space<vmem>>
    %dma_wait3A_115 = tpu.memref_squeeze %dma_wait3A_114 : memref<1x256x64xf32, #tpu.memory_space<vmem>> -> memref<256x64xf32, #tpu.memory_space<vmem>>
    %dma_wait3A_116 = arith.constant 0 : i32
    %dma_wait3A_117 = arith.constant 0 : i32
    %dma_wait3A_118 = tpu.memref_slice %arg4[%dma_wait3A_116, %dma_wait3A_111, %dma_wait3A_117] : memref<16384x50x64xf32, #tpu.memory_space<hbm>> -> memref<256x1x64xf32, #tpu.memory_space<hbm>>
    %dma_wait3A_119 = tpu.memref_squeeze %dma_wait3A_118 : memref<256x1x64xf32, #tpu.memory_space<hbm>> -> memref<256x64xf32, #tpu.memory_space<hbm>>
    %dma_wait3A_120 = arith.constant 0 : i32
    %dma_wait3A_121 = arith.constant 0 : i32
    %dma_wait3A_122 = tpu.memref_slice %arg4[%dma_wait3A_120, %dma_wait3A_111, %dma_wait3A_121] : memref<16384x50x64xf32, #tpu.memory_space<hbm>> -> memref<256x1x64xf32, #tpu.memory_space<hbm>>
    %dma_wait3A_123 = tpu.memref_squeeze %dma_wait3A_122 : memref<256x1x64xf32, #tpu.memory_space<hbm>> -> memref<256x64xf32, #tpu.memory_space<hbm>>
    %dma_wait3A_124 = arith.constant 0 : i32
    %dma_wait3A_125 = arith.constant 0 : i32
    %dma_wait3A_126 = tpu.memref_slice %arg6[%dma_wait3A, %dma_wait3A_124, %dma_wait3A_125] : memref<5x256x64xf32, #tpu.memory_space<vmem>> -> memref<1x256x64xf32, #tpu.memory_space<vmem>>
    %dma_wait3A_127 = tpu.memref_squeeze %dma_wait3A_126 : memref<1x256x64xf32, #tpu.memory_space<vmem>> -> memref<256x64xf32, #tpu.memory_space<vmem>>
    tpu.wait_dma2 semaphore(%arg17 : memref<!tpu.dma_semaphore, #tpu.memory_space<semaphore_mem>>) src(%dma_wait3A_127 : memref<256x64xf32, #tpu.memory_space<vmem>>) dst(%dma_wait3A_123 : memref<256x64xf32, #tpu.memory_space<hbm>>)
    %dma_wait3A_128 = arith.constant 1 : i32
    %dma_wait3A_129 = arith.constant 0 : i32
    %dma_wait3A_130 = arith.constant 0 : i32
    %dma_wait3A_131 = arith.constant 0 : i32
    %dma_wait3A_132 = tpu.memref_slice %arg6[%dma_wait3A_128, %dma_wait3A_130, %dma_wait3A_131] : memref<5x256x64xf32, #tpu.memory_space<vmem>> -> memref<1x256x64xf32, #tpu.memory_space<vmem>>
    %dma_wait3A_133 = tpu.memref_squeeze %dma_wait3A_132 : memref<1x256x64xf32, #tpu.memory_space<vmem>> -> memref<256x64xf32, #tpu.memory_space<vmem>>
    %dma_wait3A_134 = arith.constant 0 : i32
    %dma_wait3A_135 = arith.constant 0 : i32
    %dma_wait3A_136 = tpu.memref_slice %arg4[%dma_wait3A_134, %dma_wait3A_129, %dma_wait3A_135] : memref<16384x50x64xf32, #tpu.memory_space<hbm>> -> memref<256x1x64xf32, #tpu.memory_space<hbm>>
    %dma_wait3A_137 = tpu.memref_squeeze %dma_wait3A_136 : memref<256x1x64xf32, #tpu.memory_space<hbm>> -> memref<256x64xf32, #tpu.memory_space<hbm>>
    %dma_wait3A_138 = arith.constant 0 : i32
    %dma_wait3A_139 = arith.constant 0 : i32
    %dma_wait3A_140 = tpu.memref_slice %arg4[%dma_wait3A_138, %dma_wait3A_129, %dma_wait3A_139] : memref<16384x50x64xf32, #tpu.memory_space<hbm>> -> memref<256x1x64xf32, #tpu.memory_space<hbm>>
    %dma_wait3A_141 = tpu.memref_squeeze %dma_wait3A_140 : memref<256x1x64xf32, #tpu.memory_space<hbm>> -> memref<256x64xf32, #tpu.memory_space<hbm>>
    %dma_wait3A_142 = arith.constant 0 : i32
    %dma_wait3A_143 = arith.constant 0 : i32
    %dma_wait3A_144 = tpu.memref_slice %arg6[%dma_wait3A_128, %dma_wait3A_142, %dma_wait3A_143] : memref<5x256x64xf32, #tpu.memory_space<vmem>> -> memref<1x256x64xf32, #tpu.memory_space<vmem>>
    %dma_wait3A_145 = tpu.memref_squeeze %dma_wait3A_144 : memref<1x256x64xf32, #tpu.memory_space<vmem>> -> memref<256x64xf32, #tpu.memory_space<vmem>>
    tpu.wait_dma2 semaphore(%arg18 : memref<!tpu.dma_semaphore, #tpu.memory_space<semaphore_mem>>) src(%dma_wait3A_145 : memref<256x64xf32, #tpu.memory_space<vmem>>) dst(%dma_wait3A_141 : memref<256x64xf32, #tpu.memory_space<hbm>>)
    %dma_wait3A_146 = arith.constant 2 : i32
    %dma_wait3A_147 = arith.constant 0 : i32
    %dma_wait3A_148 = arith.constant 0 : i32
    %dma_wait3A_149 = arith.constant 0 : i32
    %dma_wait3A_150 = tpu.memref_slice %arg6[%dma_wait3A_146, %dma_wait3A_148, %dma_wait3A_149] : memref<5x256x64xf32, #tpu.memory_space<vmem>> -> memref<1x256x64xf32, #tpu.memory_space<vmem>>
    %dma_wait3A_151 = tpu.memref_squeeze %dma_wait3A_150 : memref<1x256x64xf32, #tpu.memory_space<vmem>> -> memref<256x64xf32, #tpu.memory_space<vmem>>
    %dma_wait3A_152 = arith.constant 0 : i32
    %dma_wait3A_153 = arith.constant 0 : i32
    %dma_wait3A_154 = tpu.memref_slice %arg4[%dma_wait3A_152, %dma_wait3A_147, %dma_wait3A_153] : memref<16384x50x64xf32, #tpu.memory_space<hbm>> -> memref<256x1x64xf32, #tpu.memory_space<hbm>>
    %dma_wait3A_155 = tpu.memref_squeeze %dma_wait3A_154 : memref<256x1x64xf32, #tpu.memory_space<hbm>> -> memref<256x64xf32, #tpu.memory_space<hbm>>
    %dma_wait3A_156 = arith.constant 0 : i32
    %dma_wait3A_157 = arith.constant 0 : i32
    %dma_wait3A_158 = tpu.memref_slice %arg4[%dma_wait3A_156, %dma_wait3A_147, %dma_wait3A_157] : memref<16384x50x64xf32, #tpu.memory_space<hbm>> -> memref<256x1x64xf32, #tpu.memory_space<hbm>>
    %dma_wait3A_159 = tpu.memref_squeeze %dma_wait3A_158 : memref<256x1x64xf32, #tpu.memory_space<hbm>> -> memref<256x64xf32, #tpu.memory_space<hbm>>
    %dma_wait3A_160 = arith.constant 0 : i32
    %dma_wait3A_161 = arith.constant 0 : i32
    %dma_wait3A_162 = tpu.memref_slice %arg6[%dma_wait3A_146, %dma_wait3A_160, %dma_wait3A_161] : memref<5x256x64xf32, #tpu.memory_space<vmem>> -> memref<1x256x64xf32, #tpu.memory_space<vmem>>
    %dma_wait3A_163 = tpu.memref_squeeze %dma_wait3A_162 : memref<1x256x64xf32, #tpu.memory_space<vmem>> -> memref<256x64xf32, #tpu.memory_space<vmem>>
    tpu.wait_dma2 semaphore(%arg19 : memref<!tpu.dma_semaphore, #tpu.memory_space<semaphore_mem>>) src(%dma_wait3A_163 : memref<256x64xf32, #tpu.memory_space<vmem>>) dst(%dma_wait3A_159 : memref<256x64xf32, #tpu.memory_space<hbm>>)
    %dma_wait3A_164 = arith.constant 3 : i32
    %dma_wait3A_165 = arith.constant 0 : i32
    %dma_wait3A_166 = arith.constant 0 : i32
    %dma_wait3A_167 = arith.constant 0 : i32
    %dma_wait3A_168 = tpu.memref_slice %arg6[%dma_wait3A_164, %dma_wait3A_166, %dma_wait3A_167] : memref<5x256x64xf32, #tpu.memory_space<vmem>> -> memref<1x256x64xf32, #tpu.memory_space<vmem>>
    %dma_wait3A_169 = tpu.memref_squeeze %dma_wait3A_168 : memref<1x256x64xf32, #tpu.memory_space<vmem>> -> memref<256x64xf32, #tpu.memory_space<vmem>>
    %dma_wait3A_170 = arith.constant 0 : i32
    %dma_wait3A_171 = arith.constant 0 : i32
    %dma_wait3A_172 = tpu.memref_slice %arg4[%dma_wait3A_170, %dma_wait3A_165, %dma_wait3A_171] : memref<16384x50x64xf32, #tpu.memory_space<hbm>> -> memref<256x1x64xf32, #tpu.memory_space<hbm>>
    %dma_wait3A_173 = tpu.memref_squeeze %dma_wait3A_172 : memref<256x1x64xf32, #tpu.memory_space<hbm>> -> memref<256x64xf32, #tpu.memory_space<hbm>>
    %dma_wait3A_174 = arith.constant 0 : i32
    %dma_wait3A_175 = arith.constant 0 : i32
    %dma_wait3A_176 = tpu.memref_slice %arg4[%dma_wait3A_174, %dma_wait3A_165, %dma_wait3A_175] : memref<16384x50x64xf32, #tpu.memory_space<hbm>> -> memref<256x1x64xf32, #tpu.memory_space<hbm>>
    %dma_wait3A_177 = tpu.memref_squeeze %dma_wait3A_176 : memref<256x1x64xf32, #tpu.memory_space<hbm>> -> memref<256x64xf32, #tpu.memory_space<hbm>>
    %dma_wait3A_178 = arith.constant 0 : i32
    %dma_wait3A_179 = arith.constant 0 : i32
    %dma_wait3A_180 = tpu.memref_slice %arg6[%dma_wait3A_164, %dma_wait3A_178, %dma_wait3A_179] : memref<5x256x64xf32, #tpu.memory_space<vmem>> -> memref<1x256x64xf32, #tpu.memory_space<vmem>>
    %dma_wait3A_181 = tpu.memref_squeeze %dma_wait3A_180 : memref<1x256x64xf32, #tpu.memory_space<vmem>> -> memref<256x64xf32, #tpu.memory_space<vmem>>
    tpu.wait_dma2 semaphore(%arg20 : memref<!tpu.dma_semaphore, #tpu.memory_space<semaphore_mem>>) src(%dma_wait3A_181 : memref<256x64xf32, #tpu.memory_space<vmem>>) dst(%dma_wait3A_177 : memref<256x64xf32, #tpu.memory_space<hbm>>)
    %dma_wait3A_182 = arith.constant 4 : i32
    %dma_wait3A_183 = arith.constant 0 : i32
    %dma_wait3A_184 = arith.constant 0 : i32
    %dma_wait3A_185 = arith.constant 0 : i32
    %dma_wait3A_186 = tpu.memref_slice %arg6[%dma_wait3A_182, %dma_wait3A_184, %dma_wait3A_185] : memref<5x256x64xf32, #tpu.memory_space<vmem>> -> memref<1x256x64xf32, #tpu.memory_space<vmem>>
    %dma_wait3A_187 = tpu.memref_squeeze %dma_wait3A_186 : memref<1x256x64xf32, #tpu.memory_space<vmem>> -> memref<256x64xf32, #tpu.memory_space<vmem>>
    %dma_wait3A_188 = arith.constant 0 : i32
    %dma_wait3A_189 = arith.constant 0 : i32
    %dma_wait3A_190 = tpu.memref_slice %arg4[%dma_wait3A_188, %dma_wait3A_183, %dma_wait3A_189] : memref<16384x50x64xf32, #tpu.memory_space<hbm>> -> memref<256x1x64xf32, #tpu.memory_space<hbm>>
    %dma_wait3A_191 = tpu.memref_squeeze %dma_wait3A_190 : memref<256x1x64xf32, #tpu.memory_space<hbm>> -> memref<256x64xf32, #tpu.memory_space<hbm>>
    %dma_wait3A_192 = arith.constant 0 : i32
    %dma_wait3A_193 = arith.constant 0 : i32
    %dma_wait3A_194 = tpu.memref_slice %arg4[%dma_wait3A_192, %dma_wait3A_183, %dma_wait3A_193] : memref<16384x50x64xf32, #tpu.memory_space<hbm>> -> memref<256x1x64xf32, #tpu.memory_space<hbm>>
    %dma_wait3A_195 = tpu.memref_squeeze %dma_wait3A_194 : memref<256x1x64xf32, #tpu.memory_space<hbm>> -> memref<256x64xf32, #tpu.memory_space<hbm>>
    %dma_wait3A_196 = arith.constant 0 : i32
    %dma_wait3A_197 = arith.constant 0 : i32
    %dma_wait3A_198 = tpu.memref_slice %arg6[%dma_wait3A_182, %dma_wait3A_196, %dma_wait3A_197] : memref<5x256x64xf32, #tpu.memory_space<vmem>> -> memref<1x256x64xf32, #tpu.memory_space<vmem>>
    %dma_wait3A_199 = tpu.memref_squeeze %dma_wait3A_198 : memref<1x256x64xf32, #tpu.memory_space<vmem>> -> memref<256x64xf32, #tpu.memory_space<vmem>>
    tpu.wait_dma2 semaphore(%arg21 : memref<!tpu.dma_semaphore, #tpu.memory_space<semaphore_mem>>) src(%dma_wait3A_199 : memref<256x64xf32, #tpu.memory_space<vmem>>) dst(%dma_wait3A_195 : memref<256x64xf32, #tpu.memory_space<hbm>>)
    return
  }
}

</mosaic_0001>

<sc_bundles>
// kernel: kernel.3.cloned.1.call-start
scs
__scs_entry_jumppad:
0x0: {  	(pc) =	sbr.rel $0x88, $3  }
0x1: {  	(tag) =	ssettag $0x0;
	lr =	simm.s32 $0x1  }
0x2: {  	[smem:$0x3F9F] =	sst lr;
	_ =	strace $0xD0000000  }
0x3: {  	_ = 	snop  }
0x4: {  	_ = 	snop  }
0x5: {  	_ = 	snop  }
0x6: {  	_ = 	snop  }
0x7: {  	_ = 	snop  }
__scs_overlays_trampoline_lowered:
0x8: {  	[smem:$0x3FAE] =	sst s0  }
0x9: {  	[smem:$0x3FAF] =	sst s1  }
0xa: {  	[smem:$0x3FB0] =	sst s2  }
0xb: {  	[smem:$0x3FB1] =	sst s3  }
0xc: {  	[smem:$0x3FB2] =	sst s4  }
0xd: {  	[smem:$0x3FB3] =	sst s5  }
0xe: {  	[smem:$0x3FB4] =	sst s6  }
0xf: {  	[smem:$0x3FB5] =	sst s7  }
0x10: {  	[smem:$0x3FB6] =	sst s8  }
0x11: {  	[smem:$0x3FB7] =	sst s9;
	s0 =	simm.s32 @!p0 $0x0  }
0x12: {  	s1 =	sld [smem:$0x3F9D];
	s0 =	simm.s32 @p0 $0x1  }
0x13: {  	[smem:$0x3FB8] =	sst s0;
	s0 =	simm.s32 @!p1 $0x0  }
0x14: {  	s2 =	sld [smem:$0x3F9C];
	s0 =	simm.s32 @p1 $0x1  }
0x15: {  	[smem:$0x3FB9] =	sst s0;
	s0 =	simm.s32 @!p2 $0x0  }
0x16: {  	s3 =	sld [smem:$0x3FDB];
	s0 =	simm.s32 @p2 $0x1  }
0x17: {  	s4 =	simm.s32 $0x1BF5;
	[smem:$0x3FBB] =	sst s0  }
0x18: {  	s0 =	sld [smem:$0x3F9E];
	_ =	swait.ge [sflag:s4], $0x0  }
0x19: {  	s7 =	sld [smem:$0x3F9F]  }
0x1a: {  	s8 =	sadd.s32 $0xFFFFE003, lr  }
0x1b: {  	s9 =	sadd.s32 $0xFFFFFEF7, lr;
	s5 =	simm.s32 $0xFFFFFFFF;
	p2 =	slt.u32 s8, $0xFFFFF086  }
0x1c: {  	p1 =	slt.u32 s9, $0xF7A;
	s5 =	simm.s32 @!p2 $0x0  }
0x1d: {  	s5 =	simm.s32 @p1 $0x1;
	p0 =	seq.s32 s7, s2  }
0x1e: {  	s7 =	smul.u32 @!p0 $0xF7A, s2;
	p2 =	seq.s32 @!p0 s5, $0x0  }
0x1f: {  	s9 =	smul.u32 $0xF7A, s1;
	s8 =	simm.s32 @!p0 $0x1BF5;
	p2 =	por !p2, p0  }
0x20: {  	[sflag:s8] =	ssyncset.s32 @!p0 $0xFFFFF086;
	s6 =	sadd.s32 @!p0 s3, s7;
	s7 =	simm.s32 @!p0 $0x108  }
0x21: {  	s3 =	sadd.s32 s3, s9;
	s6 =	sadd.s32 @!p0 $0x88, s6;
	s7 =	simm.s32 @p2 $0x1082  }
0x22: {  	[simem:s7], [sflag:s8] =	dma.local @!p0 [hbm:s6], $0xF7A  }
0x23: {  	s9 =	sor.u32 $0xD0000000, s2;
	s6 =	simm.s32 $0x108;
	_ =	swait.ge @!p0 [sflag:s8], $0x0  }
0x24: {  	s3 =	sadd.s32 $0x88, s3;
	s6 =	simm.s32 @!p1 $0x1082;
	[sflag:s4] =	ssyncset.s32 $0xFFFFF086  }
0x25: {  	[simem:s6], [sflag:s4] =	dma.local [hbm:s3], $0xF7A  }
0x26: {  	[smem:$0x3F9F] =	sst s1;
	(tag) =	ssettag s2;
	_ =	strace s9  }
0x27: {  	s1 =	sld [smem:$0x3FAF]  }
0x28: {  	s2 =	sld [smem:$0x3FB0]  }
0x29: {  	s4 =	sld [smem:$0x3FB2]  }
0x2a: {  	p0 =	seq.s32 s5, $0x0;
	s5 =	sld [smem:$0x3FB3]  }
0x2b: {  	s6 =	sld [smem:$0x3FB4]  }
0x2c: {  	s7 =	sld [smem:$0x3FB5]  }
0x2d: {  	s3 =	simm.s32 $0x108;
	s8 =	sld [smem:$0x3FB6]  }
0x2e: {  	s3 =	simm.s32 @!p0 $0x1082;
	s9 =	sld [smem:$0x3FB7]  }
0x2f: {  	lr =	sadd.s32 s0, s3;
	s0 =	sld [smem:$0x3FAE]  }
0x30: {  	s3 =	sld [smem:$0x3FB1]  }
0x31: {  	[smem:$0x3FBA] =	sst s10  }
0x32: {  	s10 =	sld [smem:$0x3FB8];
	_ =	sdelay $0x3  }
0x33: {  	p0 =	seq.s32 s10, $0x1;
	s10 =	sld [smem:$0x3FBA];
	_ =	sdelay $0x3  }
0x34: {  	[smem:$0x3FBA] =	sst s10  }
0x35: {  	s10 =	sld [smem:$0x3FB9];
	_ =	sdelay $0x3  }
0x36: {  	p1 =	seq.s32 s10, $0x1;
	s10 =	sld [smem:$0x3FBA];
	_ =	sdelay $0x3  }
0x37: {  	[smem:$0x3FBA] =	sst s10  }
0x38: {  	s10 =	sld [smem:$0x3FBB]  }
0x39: {  	_ = 	snop;
	(pc) =	sbr.ind lr, $3  }
0x3a: {  	_ = 	snop  }
0x3b: {  	_ = 	snop  }
0x3c: {  	p2 =	seq.s32 s10, $0x1;
	s10 =	sld [smem:$0x3FBA]  }
0x3d: {  	_ =	shalt  }
0x3e: {  	_ =	shalt  }
0x3f: {  	_ =	shalt  }
0x40: {  	_ =	shalt  }
0x41: {  	_ =	shalt  }
0x42: {  	_ =	shalt  }
0x43: {  	_ =	shalt  }
0x44: {  	_ =	shalt  }
0x45: {  	_ =	shalt  }
0x46: {  	_ =	shalt  }
0x47: {  	_ =	shalt  }
0x48: {  	_ =	shalt  }
0x49: {  	_ =	shalt  }
0x4a: {  	_ =	shalt  }
0x4b: {  	_ =	shalt  }
0x4c: {  	_ =	shalt  }
0x4d: {  	_ =	shalt  }
0x4e: {  	_ =	shalt  }
0x4f: {  	_ =	shalt  }
0x50: {  	_ =	shalt  }
0x51: {  	_ =	shalt  }
0x52: {  	_ =	shalt  }
0x53: {  	_ =	shalt  }
0x54: {  	_ =	shalt  }
0x55: {  	_ =	shalt  }
0x56: {  	_ =	shalt  }
0x57: {  	_ =	shalt  }
0x58: {  	_ =	shalt  }
0x59: {  	_ =	shalt  }
0x5a: {  	_ =	shalt  }
0x5b: {  	_ =	shalt  }
0x5c: {  	_ =	shalt  }
0x5d: {  	_ =	shalt  }
0x5e: {  	_ =	shalt  }
0x5f: {  	_ =	shalt  }
0x60: {  	_ =	shalt  }
0x61: {  	_ =	shalt  }
0x62: {  	_ =	shalt  }
0x63: {  	_ =	shalt  }
0x64: {  	_ =	shalt  }
0x65: {  	_ =	shalt  }
0x66: {  	_ =	shalt  }
0x67: {  	_ =	shalt  }
0x68: {  	_ =	shalt  }
0x69: {  	_ =	shalt  }
0x6a: {  	_ =	shalt  }
0x6b: {  	_ =	shalt  }
0x6c: {  	_ =	shalt  }
0x6d: {  	_ =	shalt  }
0x6e: {  	_ =	shalt  }
0x6f: {  	_ =	shalt  }
0x70: {  	_ =	shalt  }
0x71: {  	_ =	shalt  }
0x72: {  	_ =	shalt  }
0x73: {  	_ =	shalt  }
0x74: {  	_ =	shalt  }
0x75: {  	_ =	shalt  }
0x76: {  	_ =	shalt  }
0x77: {  	_ =	shalt  }
0x78: {  	_ =	shalt  }
0x79: {  	_ =	shalt  }
0x7a: {  	_ =	shalt  }
0x7b: {  	_ =	shalt  }
0x7c: {  	_ =	shalt  }
0x7d: {  	_ =	shalt  }
0x7e: {  	_ =	shalt  }
0x7f: {  	_ =	shalt  }
0x80: {  	_ =	shalt  }
0x81: {  	_ =	shalt  }
0x82: {  	_ =	shalt  }
0x83: {  	_ =	shalt  }
0x84: {  	_ =	shalt  }
0x85: {  	_ =	shalt  }
0x86: {  	_ =	shalt  }
0x87: {  	_ =	shalt  }
.Lfunc_end0:
.L_simem_size_0:
called_computation.1_lowered:
.L_overlay_start_0:
0x88: {  	s2 =	sld [smem:$0x3FD9]  }
0x89: {  	s3 =	sld [smem:$0x3FFE];
	_ =	sdelay $0x1  }
0x8a: {  	s1 =	srdreg.scid  }
0x8b: {  	s0 =	sand.u32 $0x1, s1  }
0x8c: {  	s17 =	sshll.u32 s0, $0xA;
	s2 =	sadd.s32 s3, s2  }
0x8d: {  	s2 =	sadd.s32 s2, s17  }
0x8e: {  	[smem:$0x3FC6] =	sst s2  }
0x8f: {  	_ = 	snop  }
0x90: {  	s2 =	sld [smem:$0x3FD0];
	(tm) =	ssettm $0x1  }
0x91: {  	s18 =	sld [smem:$0x3FFB];
	_ =	sdelay $0x3  }
0x92: {  	_ =	strace s18  }
0x93: {  	s3 =	sld [smem:$0x3FFC];
	_ =	sdelay $0x3  }
0x94: {  	_ =	strace s3  }
0x95: {  	s3 =	sld [smem:$0x3FFD];
	_ =	sdelay $0x3  }
0x96: {  	_ =	strace s3  }
0x97: {  	_ =	strace $0x8FFFFFFF  }
0x98: {  	s19 =	sld [smem:$0x3FDB];
	_ =	sdelay $0x1  }
0x99: {  	s4 =	simm.s32 $_scs_section_size  }
0x9a: {  	s5 =	simm.s32 $_size__tile_overlayer_lowered;
	s6 =	simm.s32 $_tile_overlayer_lowered  }
0x9b: {  	s22 =	simm.s32 $0x1BFF;
	s21 =	sshll.u32 s6, $0x1;
	s3 =	sadd.s32 s4, s19  }
0x9c: {  	s7 =	simm.s32 $0x0;
	s20 =	sshll.u32 s5, $0x1;
	s5 =	sadd.s32 s21, s3  }
0x9d: {  	[timem:s7], [sflag:s22] =	dma.local [hbm:s5], s20  }
0x9e: {  	_ =	swait.ge [sflag:s22], s20  }
0x9f: {  	s4 =	ssub.s32 $0x0, s20;
	[sflag:s22] =	ssyncset.done $0x0  }
0xa0: {  	[sflag:s22] =	ssyncadd.s32 s4;
	_ =	sdelay $0x1  }
0xa1: {  	s23 =	simm.s32 $0x1B8B  }
0xa2: {  	_ =	swait.ge [sflag:s23], $0x1  }
0xa3: {  	[sflag:s23] =	ssyncset.done $0x0  }
0xa4: {  	s25 =	simm.s32 $0x1B8E;
	s24 =	sld [smem:$0x3FFE];
	[sflag:s23] =	ssyncadd.s32 $0xFFFFFFFF  }
0xa5: {  	s26 =	simm.s32 $execute0_lowered;
	[smem:$0x3FD2] =	sst s25  }
0xa6: {  	s5 =	sshll.u32 s26, $0x1;
	_ =	strace $0x80000046;
	[dreg:$0x1] =	wrdreg $0xFFFFFFFF  }
0xa7: {  	s28 =	simm.s32 $_size_execute0_lowered;
	s3 =	sadd.s32 s3, s5;
	[dreg:$0x0] =	wrdreg $0x0  }
0xa8: {  	s5 =	sshll.u32 s28, $0x1;
	[dreg:$0x2] =	wrdreg s3  }
0xa9: {  	[dreg:$0x3] =	wrdreg s5  }
0xaa: {  	[dreg:$0x4] =	wrdreg $0xC0  }
0xab: {  	_ =	task [dreg:s7], $0x5FFFF  }
0xac: {  	[dreg:$0x1] =	wrdreg $0xFFFFFFFF  }
0xad: {  	[dreg:$0x0] =	wrdreg $0x60  }
0xae: {  	[dreg:$0x2] =	wrdreg s24  }
0xaf: {  	[dreg:$0x3] =	wrdreg s2  }
0xb0: {  	[dreg:$0x4] =	wrdreg $0x9  }
0xb1: {  	_ =	task.clear_ibuf [dreg:s7], $0x5FFFF;
	_ =	strace $0x90000046  }
0xb2: {  	s29 =	simm.s32 $0x9;
	_ =	strace $0x80000048  }
0xb3: {  	_ =	swait.ge [sflag:s29], $0x1  }
0xb4: {  	[sflag:s29] =	ssyncadd.s32 $0xFFFFFFFF  }
0xb5: {  	_ =	strace $0x90000048  }
0xb6: {  	_ =	sfence  }
0xb7: {  	s30 =	sld [smem:$0x0];
	_ =	sdelay $0x2  }
0xb8: {  	s31 =	sshll.u32 s1, $0xD;
	s1 =	sshrl.u32 s1, $0x2  }
0xb9: {  	s3 =	sand.u32 $0x4000, s31;
	s1 =	sadd.s32 s1, s30  }
0xba: {  	s0 =	sor.u32 s3, s0;
	s1 =	sshll.u32 s1, $0x11  }
0xbb: {  	s0 =	sor.u32 s1, s0  }
0xbc: {  	s0 =	sadd.s32 $0x8F2B, s0  }
0xbd: {  	[sflag:s0] =	ssyncadd.remote.s32 $0x1  }
0xbe: {  	_ =	sfence.sel $0xFFFF  }
0xbf: {  	[dreg:$0x0] =	wrdreg $0xFFFFFFFF;
	(pc) =	sbr.abs _section_cstart, $3  }
0xc0: {  	[dreg:$0x1] =	wrdreg $0xFFFFFFFF  }
0xc1: {  	_ =	task.clear_ibuf [dreg:s7], $0x2FFFF;
	_ =	strace $0x9FFFFFFF  }
0xc2: {  	(tm) =	ssettm $0x7FFFFFFF  }
0xc3: {  	_ =	shalt  }
tec
execute0_lowered:
.L_overlay_start_1:
0x0: {  	(tag) =	ssettag $0x1  }
0x1: {  	s0 =	srdreg.scid;
	s1 =	rddreg [dreg:$0x0]  }
0x2: {  	s3 =	stileid.u32;
	s2 =	rddreg [dreg:$0x1]  }
0x3: {  	s5 =	simm.s32 $0x0;
	s31 =	simm.s32 $0x18400;
	s18 =	simm.s32 $0x16400  }
0x4: {  	s29 =	simm.s32 $0x40;
	s30 =	simm.s32 $0xC80;
	s0 =	sand.u32 $0x1, s0  }
0x5: {  	s3 =	sshll.u32 s3, $0x3;
	s4 =	sshll.u32 s0, $0x2;
	s0 =	ssub.s32 $0x2, s0  }
0x6: {  	[smem:$0x7FF] =	sst s5;
	s4 =	sor.u32 s4, s3;
	s6 =	sshrl.u32 s0, $0x1  }
0x7: {  	_ =	strace $0x80000047;
	s3 =	sshll.u32 s4, $0x4;
	s0 =	ssub.s32 s0, s6  }
0x8: {  	[dreg:$0x3] =	wrdreg s31;
	s3 =	sadd.s32 s3, s1;
	s0 =	smax.u32 s0, $0x1  }
0x9: {  	s16 =	simm.s32 $0x9;
	s28 =	sadd.s32 $0xA00, s3;
	[dreg:$0x5] =	wrdreg s0  }
0xa: {  	s5 =	sadd.s32 $0xF42E00, s1;
	s3 =	simm.s32 $0x0;
	[dreg:$0x4] =	wrdreg s28  }
.LBB2_1:
0xb: {  	[dreg:$0x6] =	wrdreg s3  }
0xc: {  	s23 =	simm.s32 $0x0;
	s0 =	rddreg [dreg:$0x4];
	s1 =	simm.s32 $0x200  }
0xd: {  	s6 =	simm.s32 $0x4000;
	s24 =	simm.s32 $0x10;
	s14 =	simm.s32 $0x6400  }
0xe: {  	s15 =	simm.s32 $0x80;
	s25 =	simm.s32 $0x8400;
	s26 =	simm.s32 $0x100  }
0xf: {  	[tilespmem:s23], [sflag:$0x10] =	stream.strided.gather [hbm4b:s0+s1], $0x6400, s6, s1, $0x38;
	[tilespmem:$0x1A400] =	vst v63  }
0x10: {  	s17 =	simm.s32 $0xA400;
	s7 =	simm.s32 $0xC400;
	_ =	swait.ge [sflag:s24], $0x6400  }
0x11: {  	s8 =	simm.s32 $0x280;
	s9 =	simm.s32 $0x10400;
	[sflag:s24] =	ssyncset.done $0x0  }
0x12: {  	s10 =	simm.s32 $0x300;
	s11 =	simm.s32 $0x12400;
	[sflag:s24] =	ssyncadd.s32 $0xFFFF9C00  }
0x13: {  	[tilespmem:s14], [sflag:$0x1] =	stream.indirect.gather [hbm4b:s5+s15], $0x40, s23, s15, $0xb8;
	[tilespmem:$0x1A400] =	vst v63  }
0x14: {  	s12 =	simm.s32 $0x380;
	s13 =	simm.s32 $0x14400;
	s19 =	simm.s32 $0x40  }
0x15: {  	[tilespmem:s25], [sflag:$0x2] =	stream.indirect.gather [hbm4b:s5+s15], $0x40, s15, s15, $0xb8;
	[tilespmem:$0x1A400] =	vst v63  }
0x16: {  	s20 =	simm.s32 $0x400;
	p0 =	por $0x1, $0x1;
	p1 =	por $0x0, $0x0  }
0x17: {  	[tilespmem:s17], [sflag:$0x3] =	stream.indirect.gather [hbm4b:s5+s15], $0x40, s26, s15, $0xb8;
	[tilespmem:$0x1A400] =	vst v63  }
0x18: {  	p3 =	por $0x0, $0x0;
	s6 =	simm.s32 $0x180;
	s0 =	simm.s32 $0x1C00  }
0x19: {  	[tilespmem:s7], [sflag:$0x4] =	stream.indirect.gather [hbm4b:s5+s15], $0x40, s6, s15, $0xb8;
	[tilespmem:$0x1A400] =	vst v63  }
0x1a: {  	s3 =	sand.u32 $0x2, s23;
	s0 =	sand.u32 @!p1 $0x400, s0;
	s26 =	simm.s32 $0xE400  }
0x1b: {  	[tilespmem:s26], [sflag:$0x5] =	stream.indirect.gather [hbm4b:s5+s15], $0x40, s1, s15, $0xb8;
	[tilespmem:$0x1A400] =	vst v63  }
0x1c: {  	s28 =	sand.u32 $0x3FC0, s15;
	s0 =	sshrl.u32 @!p1 s0, $0x2;
	s24 =	simm.s32 $0x1  }
0x1d: {  	[tilespmem:s9], [sflag:$0x6] =	stream.indirect.gather [hbm4b:s5+s15], $0x40, s8, s15, $0xb8;
	[tilespmem:$0x1A400] =	vst v63  }
0x1e: {  	s25 =	simm.s32 $0x2;
	s7 =	simm.s32 $0xD00;
	s6 =	sand.u32 $0x1FE00, s20  }
0x1f: {  	[tilespmem:s11], [sflag:$0x7] =	stream.indirect.gather [hbm4b:s5+s15], $0x40, s10, s15, $0xb8;
	[tilespmem:$0x1A400] =	vst v63  }
0x20: {  	s20 =	simm.s32 $0x3;
	s1 =	sand.u32 $0x3FC0, s19;
	s10 =	sshll.u32 s3, $0x9  }
0x21: {  	s8 =	simm.s32 $0x800;
	s9 =	simm.s32 @!p0 $0xF;
	s11 =	sshrl.u32 s10, $0x2  }
0x22: {  	[tilespmem:s13], [sflag:$0x8] =	stream.indirect.gather [hbm4b:s5+s15], $0x40, s12, s15, $0xb8;
	[tilespmem:$0x1A400] =	vst v63  }
0x23: {  	s3 =	sor.u32 s4, s3;
	s12 =	simm.s32 $0x0;
	s13 =	sor.u32 s11, s6  }
0x24: {  	s6 =	simm.s32 $0x120;
	s11 =	smul.u32 $0x64000, s3;
	_ =	swait.ge @!p0 [sflag:s9], $0x4000  }
0x25: {  	s3 =	simm.s32 @!p1 $0x500;
	s22 =	sor.u32 $0x80, s13;
	[sflag:s9] =	ssyncset.done @!p0 $0x0  }
0x26: {  	s23 =	sand.u32 $0x1FC0, s12;
	s3 =	sand.u32 @!p1 $0x1FE00, s3;
	[sflag:s9] =	ssyncadd.s32 @!p0 $0xFFFFC000  }
0x27: {  	[tilespmem:s18], [sflag:$0x9] =	stream.indirect.gather [hbm4b:s5+s15], $0x40, s13, s15, $0xb8;
	[tilespmem:$0x1A400] =	vst v63  }
0x28: {  	s12 =	simm.s32 @!p1 $0x1400;
	s21 =	rddreg [dreg:$0x3];
	s1 =	sor.u32 s1, s11  }
0x29: {  	[tilespmem:s21], [sflag:$0xA] =	stream.indirect.gather [hbm4b:s5+s15], $0x40, s22, s15, $0xb8;
	[tilespmem:$0x1A400] =	vst v63  }
0x2a: {  	s12 =	sand.u32 @!p1 $0x400, s12;
	s9 =	sor.u32 s23, s11;
	_ =	swait.ge [sflag:s24], $0x2000  }
0x2b: {  	p0 =	por p1, p1;
	s12 =	sshrl.u32 @!p1 s12, $0x2;
	[sflag:s24] =	ssyncset.done $0x0  }
0x2c: {  	s1 =	sshrl.u32 s1, $0x3;
	s9 =	sshrl.u32 s9, $0x3;
	[sflag:s24] =	ssyncadd.s32 $0xFFFFE000  }
0x2d: {  	s13 =	simm.s32 @!p0 $0xB;
	s3 =	sor.u32 @!p1 s12, s3;
	_ =	swait.ge [sflag:s25], $0x2000  }
0x2e: {  	s18 =	simm.s32 $0x2;
	s23 =	simm.s32 @!p0 $0x80;
	[sflag:s25] =	ssyncset.done $0x0  }
0x2f: {  	s1 =	sadd.s32 s2, s1;
	s9 =	sadd.s32 s2, s9;
	[sflag:s25] =	ssyncadd.s32 $0xFFFFE000  }
0x30: {  	[hbm4b:s9+s29] =	stream.strided.scatter [tilespmem:s14], [sflag:$0xB], $0x4000, s30, s29, $0x38;
	[tilespmem:$0x1A400] =	vst v63  }
0x31: {  	s8 =	sand.u32 @!p0 $0x1FE00, s8;
	s31 =	simm.s32 @!p0 $0x14400;
	_ =	swait.ge @!p0 [sflag:s13], $0x4000  }
0x32: {  	s12 =	sand.u32 $0x2, s18;
	s18 =	simm.s32 $0x3000;
	[sflag:s13] =	ssyncset.done @!p0 $0x0  }
0x33: {  	s19 =	sor.u32 s4, s12;
	[sflag:s13] =	ssyncadd.s32 @!p0 $0xFFFFC000;
	s13 =	simm.s32 @!p0 $0x6400  }
0x34: {  	[tilespmem:s13], [sflag:$0x1] =	stream.indirect.gather @!p0 [hbm4b:s5+s23], $0x40, s3, s23, $0xb8;
	[tilespmem:$0x1A400] =	vst v63  }
0x35: {  	s21 =	simm.s32 $0x20;
	s3 =	sor.u32 @!p1 $0x80, s3;
	s13 =	simm.s32 @!p0 $0x8400  }
0x36: {  	[tilespmem:s13], [sflag:$0x2] =	stream.indirect.gather @!p0 [hbm4b:s5+s23], $0x40, s3, s23, $0xb8;
	[tilespmem:$0x1A400] =	vst v63  }
0x37: {  	s15 =	simm.s32 $0x7;
	s12 =	smul.u32 $0x64000, s19;
	_ =	swait.ge [sflag:s20], $0x2000  }
0x38: {  	s22 =	sand.u32 $0x3FC0, s21;
	s24 =	simm.s32 $0x4;
	[sflag:s20] =	ssyncset.done $0x0  }
0x39: {  	s25 =	simm.s32 $0x5;
	s9 =	sor.u32 s22, s12;
	[sflag:s20] =	ssyncadd.s32 $0xFFFFE000  }
0x3a: {  	s14 =	simm.s32 $0xE0;
	s9 =	sshrl.u32 s9, $0x3;
	_ =	swait.ge [sflag:s24], $0x2000  }
0x3b: {  	s12 =	simm.s32 @!p0 $0x700;
	s9 =	sadd.s32 s2, s9;
	[sflag:s24] =	ssyncset.done $0x0  }
0x3c: {  	s3 =	sand.u32 $0x3FC0, s14;
	s13 =	simm.s32 @!p0 $0xC;
	[sflag:s24] =	ssyncadd.s32 $0xFFFFE000  }
0x3d: {  	[hbm4b:s9+s29] =	stream.strided.scatter [tilespmem:s17], [sflag:$0xC], $0x4000, s30, s29, $0x38;
	[tilespmem:$0x1A400] =	vst v63  }
0x3e: {  	s9 =	sand.u32 @!p0 $0x1FE00, s12;
	s12 =	simm.s32 @!p0 $0x600;
	_ =	swait.ge @!p0 [sflag:s13], $0x4000  }
0x3f: {  	s14 =	sshrl.u32 @!p0 s10, $0x2;
	s10 =	sand.u32 @!p0 $0x1FE00, s12;
	[sflag:s13] =	ssyncset.done @!p0 $0x0  }
0x40: {  	s12 =	simm.s32 @!p0 $0xA400;
	s10 =	sor.u32 @!p0 s14, s10;
	[sflag:s13] =	ssyncadd.s32 @!p0 $0xFFFFC000  }
0x41: {  	[tilespmem:s12], [sflag:$0x3] =	stream.indirect.gather @!p0 [hbm4b:s5+s23], $0x40, s10, s23, $0xb8;
	[tilespmem:$0x1A400] =	vst v63  }
0x42: {  	s0 =	sor.u32 @!p0 s0, s9;
	s9 =	sadd.s32 @!p0 $0x80, s10;
	s10 =	simm.s32 @!p0 $0xC400  }
0x43: {  	[tilespmem:s10], [sflag:$0x4] =	stream.indirect.gather @!p0 [hbm4b:s5+s23], $0x40, s9, s23, $0xb8;
	[tilespmem:$0x1A400] =	vst v63  }
0x44: {  	s19 =	simm.s32 $0x1200;
	s21 =	simm.s32 $0x60;
	_ =	swait.ge [sflag:s25], $0x2000  }
0x45: {  	s22 =	simm.s32 $0x2;
	p1 =	por $0x0, $0x0;
	[sflag:s25] =	ssyncset.done $0x0  }
0x46: {  	s20 =	simm.s32 $0x4;
	s17 =	simm.s32 $0x6;
	[sflag:s25] =	ssyncadd.s32 $0xFFFFE000  }
0x47: {  	s24 =	simm.s32 @!p0 $0xE400;
	s13 =	simm.s32 @!p0 $0x10400;
	_ =	swait.ge [sflag:s17], $0x2000  }
0x48: {  	s12 =	sor.u32 @!p0 $0x80, s0;
	s9 =	simm.s32 @!p0 $0xD;
	[sflag:s17] =	ssyncset.done $0x0  }
0x49: {  	s10 =	simm.s32 $0x10;
	s25 =	simm.s32 @!p0 $0x12400;
	[sflag:s17] =	ssyncadd.s32 $0xFFFFE000  }
0x4a: {  	[hbm4b:s1+s29] =	stream.strided.scatter [tilespmem:s26], [sflag:$0xD], $0x4000, s30, s29, $0x38;
	[tilespmem:$0x1A400] =	vst v63  }
0x4b: {  	s26 =	sand.u32 $0x2, s17;
	s17 =	sand.u32 $0x2, s22;
	_ =	swait.ge @!p0 [sflag:s9], $0x4000  }
0x4c: {  	s1 =	sor.u32 s4, s26;
	s26 =	simm.s32 @!p0 $0xE;
	[sflag:s9] =	ssyncset.done @!p0 $0x0  }
0x4d: {  	[sflag:s9] =	ssyncadd.s32 @!p0 $0xFFFFC000;
	s9 =	sand.u32 $0x3FC0, s21;
	s21 =	sor.u32 @!p0 s14, s8  }
0x4e: {  	[tilespmem:s24], [sflag:$0x5] =	stream.indirect.gather @!p0 [hbm4b:s5+s23], $0x40, s0, s23, $0xb8;
	[tilespmem:$0x1A400] =	vst v63  }
0x4f: {  	s14 =	smul.u32 $0x64000, s1;
	s1 =	simm.s32 $0xA0;
	s8 =	simm.s32 $0x1C0  }
0x50: {  	[tilespmem:s13], [sflag:$0x6] =	stream.indirect.gather @!p0 [hbm4b:s5+s23], $0x40, s12, s23, $0xb8;
	[tilespmem:$0x1A400] =	vst v63  }
0x51: {  	s24 =	sor.u32 s28, s11;
	s0 =	sadd.s32 @!p0 $0x80, s21;
	_ =	swait.ge [sflag:s15], $0x2000  }
0x52: {  	s11 =	sshll.u32 s17, $0x9;
	s28 =	simm.s32 @!p1 $0xA00;
	[sflag:s15] =	ssyncset.done $0x0  }
0x53: {  	s9 =	sor.u32 s9, s14;
	[sflag:s15] =	ssyncadd.s32 $0xFFFFE000;
	s15 =	simm.s32 $0x8  }
0x54: {  	s14 =	sand.u32 @!p1 $0x400, s18;
	s9 =	sshrl.u32 s9, $0x3;
	_ =	swait.ge [sflag:s15], $0x2000  }
0x55: {  	s12 =	simm.s32 $0x900;
	s13 =	sadd.s32 s2, s9;
	[sflag:s15] =	ssyncset.done $0x0  }
0x56: {  	s9 =	sand.u32 $0x1FE00, s12;
	s12 =	sshrl.u32 s11, $0x2;
	[sflag:s15] =	ssyncadd.s32 $0xFFFFE000  }
.LBB2_2:
0x57: {  	s15 =	simm.s32 $0x12400  }
0x58: {  	[hbm4b:s13+s29] =	stream.strided.scatter [tilespmem:s15], [sflag:$0xE], $0x4000, s30, s29, $0x38;
	[tilespmem:$0x1A400] =	vst v63  }
0x59: {  	_ =	swait.ge @!p0 [sflag:s26], $0x4000  }
0x5a: {  	s17 =	sor.u32 s4, s17;
	s24 =	sshrl.u32 s24, $0x3;
	[sflag:s26] =	ssyncset.done @!p0 $0x0  }
0x5b: {  	s1 =	sand.u32 $0x1FC0, s1;
	s9 =	sor.u32 s12, s9;
	[sflag:s26] =	ssyncadd.s32 @!p0 $0xFFFFC000  }
0x5c: {  	[tilespmem:s25], [sflag:$0x7] =	stream.indirect.gather @!p0 [hbm4b:s5+s23], $0x40, s21, s23, $0xb8;
	[tilespmem:$0x1A400] =	vst v63  }
0x5d: {  	s20 =	sadd.s32 $0x5, s20;
	s22 =	sadd.s32 $0x2, s22;
	s13 =	sand.u32 @!p1 $0x1FE00, s28  }
0x5e: {  	[tilespmem:s31], [sflag:$0x8] =	stream.indirect.gather @!p0 [hbm4b:s5+s23], $0x40, s0, s23, $0xb8;
	[tilespmem:$0x1A400] =	vst v63  }
0x5f: {  	s28 =	sshrl.u32 @!p1 s14, $0x2;
	s14 =	smul.u32 $0x64000, s17;
	_ =	swait.ge [sflag:s16], $0x2000  }
0x60: {  	s17 =	smov.u32 s7;
	s12 =	sadd.s32 s2, s24;
	[sflag:s16] =	ssyncset.done $0x0  }
0x61: {  	s7 =	sadd.s32 @!p1 $0xFFFFF800, s18;
	s24 =	simm.s32 $0xA;
	[sflag:s16] =	ssyncadd.s32 $0xFFFFE000  }
0x62: {  	s3 =	sor.u32 s3, s14;
	s26 =	simm.s32 $0x16400;
	_ =	swait.ge [sflag:s24], $0x2000  }
0x63: {  	s25 =	sshrl.u32 s3, $0x3;
	s23 =	sadd.s32 $0xFFFFFFC0, s8;
	[sflag:s24] =	ssyncset.done $0x0  }
0x64: {  	s3 =	sand.u32 $0x3FC0, s23;
	s23 =	simm.s32 @!p3 $0xF;
	[sflag:s24] =	ssyncadd.s32 $0xFFFFE000  }
0x65: {  	[hbm4b:s12+s29] =	stream.strided.scatter [tilespmem:s26], [sflag:$0xF], $0x4000, s30, s29, $0x38;
	[tilespmem:$0x1A400] =	vst v63  }
0x66: {  	s15 =	simm.s32 $0x80;
	s18 =	sadd.s32 $0x1400, s18;
	_ =	swait.ge @!p3 [sflag:s23], $0x4000  }
0x67: {  	s7 =	sand.u32 @!p1 $0x400, s7;
	s1 =	sor.u32 s1, s14;
	[sflag:s23] =	ssyncset.done @!p3 $0x0  }
0x68: {  	s1 =	sshrl.u32 s1, $0x3;
	s21 =	sshrl.u32 @!p1 s7, $0x2;
	[sflag:s23] =	ssyncadd.s32 @!p3 $0xFFFFC000  }
0x69: {  	[tilespmem:s26], [sflag:$0x9] =	stream.indirect.gather [hbm4b:s5+s15], $0x40, s9, s15, $0xb8;
	[tilespmem:$0x1A400] =	vst v63  }
0x6a: {  	s0 =	sor.u32 $0x80, s9;
	s24 =	simm.s32 $0x1;
	s23 =	rddreg [dreg:$0x3]  }
0x6b: {  	[tilespmem:s23], [sflag:$0xA] =	stream.indirect.gather [hbm4b:s5+s15], $0x40, s0, s15, $0xb8;
	[tilespmem:$0x1A400] =	vst v63  }
0x6c: {  	s7 =	smov.u32 s19;
	p0 =	por p1, p1;
	_ =	swait.ge [sflag:s24], $0x2000  }
0x6d: {  	s1 =	sadd.s32 s2, s1;
	s9 =	sadd.s32 @!p0 $0xFFFFFF00, s17;
	[sflag:s24] =	ssyncset.done $0x0  }
0x6e: {  	s15 =	simm.s32 $0x2;
	s23 =	sadd.s32 $0xFFFFFFFC, s10;
	[sflag:s24] =	ssyncadd.s32 $0xFFFFE000  }
0x6f: {  	s9 =	sand.u32 @!p0 $0x1FE00, s9;
	s23 =	sand.u32 $0x2, s23;
	_ =	swait.ge [sflag:s15], $0x2000  }
0x70: {  	s24 =	sshrl.u32 @!p0 s11, $0x2;
	s11 =	sor.u32 @!p0 s28, s9;
	[sflag:s15] =	ssyncset.done $0x0  }
0x71: {  	s9 =	simm.s32 @!p0 $0xB;
	s28 =	simm.s32 $0x6400;
	[sflag:s15] =	ssyncadd.s32 $0xFFFFE000  }
0x72: {  	[hbm4b:s1+s29] =	stream.strided.scatter [tilespmem:s28], [sflag:$0xB], $0x4000, s30, s29, $0x38;
	[tilespmem:$0x1A400] =	vst v63  }
0x73: {  	s19 =	sadd.s32 $0x500, s19;
	s23 =	sor.u32 s4, s23;
	_ =	swait.ge @!p0 [sflag:s9], $0x4000  }
0x74: {  	s12 =	sor.u32 @!p1 s21, s13;
	s1 =	smul.u32 $0x64000, s23;
	[sflag:s9] =	ssyncset.done @!p0 $0x0  }
0x75: {  	s23 =	simm.s32 @!p0 $0x80;
	[sflag:s9] =	ssyncadd.s32 @!p0 $0xFFFFC000;
	s9 =	simm.s32 @!p0 $0x6400  }
0x76: {  	[tilespmem:s9], [sflag:$0x1] =	stream.indirect.gather @!p0 [hbm4b:s5+s23], $0x40, s12, s23, $0xb8;
	[tilespmem:$0x1A400] =	vst v63  }
0x77: {  	p2 =	sne.s32 s19, $0x6C00;
	s13 =	sor.u32 @!p1 $0x80, s12;
	s0 =	simm.s32 @!p0 $0x8400  }
0x78: {  	[tilespmem:s0], [sflag:$0x2] =	stream.indirect.gather @!p0 [hbm4b:s5+s23], $0x40, s13, s23, $0xb8;
	[tilespmem:$0x1A400] =	vst v63  }
0x79: {  	s21 =	smov.u32 s10;
	s26 =	smov.u32 s6;
	s13 =	simm.s32 $0x3  }
0x7a: {  	p1 =	seq.s32 s7, $0x6700;
	s15 =	sadd.s32 $0xFFFFFFA0, s26;
	_ =	swait.ge [sflag:s13], $0x2000  }
0x7b: {  	p3 =	sgt.u32 s20, $0x5E;
	s15 =	sand.u32 $0x3FC0, s15;
	[sflag:s13] =	ssyncset.done $0x0  }
0x7c: {  	s0 =	sor.u32 s15, s1;
	s15 =	simm.s32 $0x4;
	[sflag:s13] =	ssyncadd.s32 $0xFFFFE000  }
0x7d: {  	s6 =	smov.u32 s8;
	s8 =	sadd.s32 $0xA0, s8;
	_ =	swait.ge [sflag:s15], $0x2000  }
0x7e: {  	s1 =	simm.s32 @!p0 $0xC;
	s0 =	sshrl.u32 s0, $0x3;
	[sflag:s15] =	ssyncset.done $0x0  }
0x7f: {  	s0 =	sadd.s32 s2, s0;
	[sflag:s15] =	ssyncadd.s32 $0xFFFFE000;
	s15 =	simm.s32 $0xA400  }
0x80: {  	[hbm4b:s0+s29] =	stream.strided.scatter [tilespmem:s15], [sflag:$0xC], $0x4000, s30, s29, $0x38;
	[tilespmem:$0x1A400] =	vst v63  }
0x81: {  	s31 =	sand.u32 $0x3FC0, s26;
	s28 =	sadd.s32 @!p0 $0xFFFFFE00, s17;
	_ =	swait.ge @!p0 [sflag:s1], $0x4000  }
0x82: {  	s10 =	sadd.s32 $0xA, s10;
	s28 =	sand.u32 @!p0 $0x1FE00, s28;
	[sflag:s1] =	ssyncset.done @!p0 $0x0  }
0x83: {  	s28 =	sor.u32 @!p0 s24, s28;
	s0 =	simm.s32 @!p0 $0xA400;
	[sflag:s1] =	ssyncadd.s32 @!p0 $0xFFFFC000  }
0x84: {  	[tilespmem:s0], [sflag:$0x3] =	stream.indirect.gather @!p0 [hbm4b:s5+s23], $0x40, s28, s23, $0xb8;
	[tilespmem:$0x1A400] =	vst v63  }
0x85: {  	s12 =	sadd.s32 @!p0 $0x80, s28;
	s9 =	simm.s32 @!p0 $0xC400;
	s15 =	simm.s32 $0x5  }
0x86: {  	[tilespmem:s9], [sflag:$0x4] =	stream.indirect.gather @!p0 [hbm4b:s5+s23], $0x40, s12, s23, $0xb8;
	[tilespmem:$0x1A400] =	vst v63  }
0x87: {  	s13 =	simm.s32 @!p0 $0xD;
	s1 =	simm.s32 @!p0 $0x10400;
	_ =	swait.ge [sflag:s15], $0x2000  }
0x88: {  	s0 =	sor.u32 @!p0 $0x80, s11;
	s28 =	sadd.s32 $0xFFFFFFE0, s26;
	[sflag:s15] =	ssyncset.done $0x0  }
0x89: {  	s9 =	sadd.s32 s2, s25;
	s25 =	simm.s32 $0x6;
	[sflag:s15] =	ssyncadd.s32 $0xFFFFE000  }
0x8a: {  	s26 =	sand.u32 $0x2, s21;
	s21 =	sand.u32 @!p0 $0x1FE00, s17;
	_ =	swait.ge [sflag:s25], $0x2000  }
0x8b: {  	s17 =	sand.u32 $0x2, s22;
	s21 =	sor.u32 @!p0 s24, s21;
	[sflag:s25] =	ssyncset.done $0x0  }
0x8c: {  	s24 =	sor.u32 s31, s14;
	s15 =	simm.s32 $0xE400;
	[sflag:s25] =	ssyncadd.s32 $0xFFFFE000  }
0x8d: {  	[hbm4b:s9+s29] =	stream.strided.scatter [tilespmem:s15], [sflag:$0xD], $0x4000, s30, s29, $0x38;
	[tilespmem:$0x1A400] =	vst v63  }
0x8e: {  	s31 =	simm.s32 @!p0 $0x14400;
	s14 =	sand.u32 @!p1 $0x400, s18;
	_ =	swait.ge @!p0 [sflag:s13], $0x4000  }
0x8f: {  	s12 =	simm.s32 @!p0 $0xE400;
	s25 =	simm.s32 @!p0 $0x12400;
	[sflag:s13] =	ssyncset.done @!p0 $0x0  }
0x90: {  	s9 =	sor.u32 s4, s26;
	s26 =	simm.s32 @!p0 $0xE;
	[sflag:s13] =	ssyncadd.s32 @!p0 $0xFFFFC000  }
0x91: {  	[tilespmem:s12], [sflag:$0x5] =	stream.indirect.gather @!p0 [hbm4b:s5+s23], $0x40, s11, s23, $0xb8;
	[tilespmem:$0x1A400] =	vst v63  }
0x92: {  	s15 =	simm.s32 $0x7;
	s9 =	smul.u32 $0x64000, s9;
	s13 =	sand.u32 $0x3FC0, s28  }
0x93: {  	[tilespmem:s1], [sflag:$0x6] =	stream.indirect.gather @!p0 [hbm4b:s5+s23], $0x40, s0, s23, $0xb8;
	[tilespmem:$0x1A400] =	vst v63  }
0x94: {  	s28 =	sadd.s32 @!p1 $0xFFFFFD00, s7;
	s12 =	sadd.s32 $0xFFFFFC00, s7;
	_ =	swait.ge [sflag:s15], $0x2000  }
.Ltmp0:
0x95: {  	s9 =	sor.u32 s13, s9;
	[sflag:s15] =	ssyncset.done $0x0;
	(pc) =	sbr.rel @p2 .LBB2_2-.Ltmp0, $4  }
0x96: {  	s11 =	sshll.u32 s17, $0x9;
	[sflag:s15] =	ssyncadd.s32 $0xFFFFE000;
	s15 =	simm.s32 $0x8  }
0x97: {  	s9 =	sshrl.u32 s9, $0x3;
	s0 =	sadd.s32 @!p0 $0x80, s21;
	_ =	swait.ge [sflag:s15], $0x2000  }
0x98: {  	s1 =	sadd.s32 $0xFFFFFF80, s6;
	s13 =	sadd.s32 s2, s9;
	[sflag:s15] =	ssyncset.done $0x0  }
0x99: {  	s9 =	sand.u32 $0x1FE00, s12;
	s12 =	sshrl.u32 s11, $0x2;
	[sflag:s15] =	ssyncadd.s32 $0xFFFFE000  }
0x9a: {  	s19 =	simm.s32 $0x12400  }
0x9b: {  	[hbm4b:s13+s29] =	stream.strided.scatter [tilespmem:s19], [sflag:$0xE], $0x4000, s30, s29, $0x38;
	[tilespmem:$0x1A400] =	vst v63  }
0x9c: {  	_ =	swait.ge @!p0 [sflag:s26], $0x4000  }
0x9d: {  	[sflag:s26] =	ssyncset.done @!p0 $0x0  }
0x9e: {  	[sflag:s26] =	ssyncadd.s32 @!p0 $0xFFFFC000  }
0x9f: {  	[tilespmem:s25], [sflag:$0x7] =	stream.indirect.gather @!p0 [hbm4b:s5+s23], $0x40, s21, s23, $0xb8;
	[tilespmem:$0x1A400] =	vst v63  }
0xa0: {  	_ = 	snop  }
0xa1: {  	[tilespmem:s31], [sflag:$0x8] =	stream.indirect.gather @!p0 [hbm4b:s5+s23], $0x40, s0, s23, $0xb8;
	[tilespmem:$0x1A400] =	vst v63  }
0xa2: {  	_ =	swait.ge [sflag:s16], $0x2000  }
0xa3: {  	[sflag:s16] =	ssyncset.done $0x0  }
0xa4: {  	s15 =	simm.s32 $0xA;
	[sflag:s16] =	ssyncadd.s32 $0xFFFFE000  }
0xa5: {  	_ =	swait.ge [sflag:s15], $0x2000  }
0xa6: {  	s23 =	sshrl.u32 s24, $0x3;
	[sflag:s15] =	ssyncset.done $0x0  }
0xa7: {  	s13 =	simm.s32 $0x16400;
	s0 =	sadd.s32 s2, s23;
	[sflag:s15] =	ssyncadd.s32 $0xFFFFE000  }
0xa8: {  	[hbm4b:s0+s29] =	stream.strided.scatter [tilespmem:s13], [sflag:$0xF], $0x4000, s30, s29, $0x38;
	[tilespmem:$0x1A400] =	vst v63  }
0xa9: {  	s0 =	simm.s32 @!p3 $0xF  }
0xaa: {  	_ =	swait.ge @!p3 [sflag:s0], $0x4000  }
0xab: {  	[sflag:s0] =	ssyncset.done @!p3 $0x0  }
0xac: {  	s8 =	sor.u32 s12, s9;
	s25 =	simm.s32 $0x80;
	[sflag:s0] =	ssyncadd.s32 @!p3 $0xFFFFC000  }
0xad: {  	[tilespmem:s13], [sflag:$0x9] =	stream.indirect.gather [hbm4b:s5+s25], $0x40, s8, s25, $0xb8;
	[tilespmem:$0x1A400] =	vst v63  }
0xae: {  	s31 =	simm.s32 $0x1;
	s24 =	rddreg [dreg:$0x3];
	s8 =	sor.u32 $0x80, s8  }
0xaf: {  	[tilespmem:s24], [sflag:$0xA] =	stream.indirect.gather [hbm4b:s5+s25], $0x40, s8, s25, $0xb8;
	[tilespmem:$0x1A400] =	vst v63  }
0xb0: {  	s26 =	sor.u32 s4, s17;
	_ =	swait.ge [sflag:s31], $0x2000  }
0xb1: {  	s8 =	smul.u32 $0x64000, s26;
	[sflag:s31] =	ssyncset.done $0x0  }
0xb2: {  	s12 =	sand.u32 $0x1FC0, s1;
	s17 =	simm.s32 $0x2;
	[sflag:s31] =	ssyncadd.s32 $0xFFFFE000  }
0xb3: {  	s1 =	sadd.s32 @!p1 $0xFFFFF800, s18;
	s0 =	sor.u32 s12, s8;
	_ =	swait.ge [sflag:s17], $0x2000  }
0xb4: {  	s20 =	simm.s32 $0x6400;
	s0 =	sshrl.u32 s0, $0x3;
	[sflag:s17] =	ssyncset.done $0x0  }
0xb5: {  	p0 =	por p1, p1;
	s0 =	sadd.s32 s2, s0;
	[sflag:s17] =	ssyncadd.s32 $0xFFFFE000  }
0xb6: {  	[hbm4b:s0+s29] =	stream.strided.scatter [tilespmem:s20], [sflag:$0xB], $0x4000, s30, s29, $0x38;
	[tilespmem:$0x1A400] =	vst v63  }
0xb7: {  	s0 =	sand.u32 @!p1 $0x400, s1;
	s1 =	simm.s32 @!p0 $0xB  }
0xb8: {  	s9 =	sand.u32 @!p1 $0x1FE00, s28;
	_ =	swait.ge @!p0 [sflag:s1], $0x4000  }
0xb9: {  	s17 =	simm.s32 @!p0 $0x80;
	s0 =	sshrl.u32 @!p1 s0, $0x2;
	[sflag:s1] =	ssyncset.done @!p0 $0x0  }
0xba: {  	s0 =	sor.u32 @!p1 s0, s9;
	[sflag:s1] =	ssyncadd.s32 @!p0 $0xFFFFC000;
	s1 =	simm.s32 @!p0 $0x6400  }
0xbb: {  	[tilespmem:s1], [sflag:$0x1] =	stream.indirect.gather @!p0 [hbm4b:s5+s17], $0x40, s0, s17, $0xb8;
	[tilespmem:$0x1A400] =	vst v63  }
0xbc: {  	s21 =	sadd.s32 $0xFFFFFFFC, s10;
	s0 =	sor.u32 @!p1 $0x80, s0;
	s1 =	simm.s32 @!p0 $0x8400  }
0xbd: {  	[tilespmem:s1], [sflag:$0x2] =	stream.indirect.gather @!p0 [hbm4b:s5+s17], $0x40, s0, s17, $0xb8;
	[tilespmem:$0x1A400] =	vst v63  }
0xbe: {  	s22 =	simm.s32 $0x3;
	s0 =	sand.u32 $0x2, s21  }
0xbf: {  	s0 =	sor.u32 s4, s0;
	_ =	swait.ge [sflag:s22], $0x2000  }
0xc0: {  	s23 =	sadd.s32 $0xFFFFFFA0, s6;
	s0 =	smul.u32 $0x64000, s0;
	[sflag:s22] =	ssyncset.done $0x0  }
0xc1: {  	s24 =	simm.s32 $0x4;
	s1 =	sand.u32 $0x3FC0, s23;
	[sflag:s22] =	ssyncadd.s32 $0xFFFFE000  }
0xc2: {  	s0 =	sor.u32 s1, s0;
	_ =	swait.ge [sflag:s24], $0x2000  }
0xc3: {  	s25 =	simm.s32 $0xA400;
	s0 =	sshrl.u32 s0, $0x3;
	[sflag:s24] =	ssyncset.done $0x0  }
0xc4: {  	s1 =	simm.s32 @!p0 $0xC;
	[sflag:s24] =	ssyncadd.s32 $0xFFFFE000;
	s0 =	sadd.s32 s2, s0  }
0xc5: {  	[hbm4b:s0+s29] =	stream.strided.scatter [tilespmem:s25], [sflag:$0xC], $0x4000, s30, s29, $0x38;
	[tilespmem:$0x1A400] =	vst v63  }
0xc6: {  	s0 =	sadd.s32 @!p0 $0xFFFFFE00, s7;
	_ =	swait.ge @!p0 [sflag:s1], $0x4000  }
0xc7: {  	s9 =	sshrl.u32 @!p0 s11, $0x2;
	s0 =	sand.u32 @!p0 $0x1FE00, s0;
	[sflag:s1] =	ssyncset.done @!p0 $0x0  }
0xc8: {  	s0 =	sor.u32 @!p0 s9, s0;
	[sflag:s1] =	ssyncadd.s32 @!p0 $0xFFFFC000;
	s1 =	simm.s32 @!p0 $0xA400  }
0xc9: {  	[tilespmem:s1], [sflag:$0x3] =	stream.indirect.gather @!p0 [hbm4b:s5+s17], $0x40, s0, s17, $0xb8;
	[tilespmem:$0x1A400] =	vst v63  }
0xca: {  	s26 =	simm.s32 $0x5;
	s0 =	sadd.s32 @!p0 $0x80, s0;
	s1 =	simm.s32 @!p0 $0xC400  }
0xcb: {  	[tilespmem:s1], [sflag:$0x4] =	stream.indirect.gather @!p0 [hbm4b:s5+s17], $0x40, s0, s17, $0xb8;
	[tilespmem:$0x1A400] =	vst v63  }
0xcc: {  	_ =	swait.ge [sflag:s26], $0x2000  }
0xcd: {  	[sflag:s26] =	ssyncset.done $0x0  }
0xce: {  	s31 =	simm.s32 $0x6;
	[sflag:s26] =	ssyncadd.s32 $0xFFFFE000  }
0xcf: {  	s28 =	sor.u32 s3, s8;
	_ =	swait.ge [sflag:s31], $0x2000  }
0xd0: {  	s11 =	simm.s32 $0xE400;
	s0 =	sshrl.u32 s28, $0x3;
	[sflag:s31] =	ssyncset.done $0x0  }
0xd1: {  	s1 =	simm.s32 @!p0 $0xD;
	s0 =	sadd.s32 s2, s0;
	[sflag:s31] =	ssyncadd.s32 $0xFFFFE000  }
0xd2: {  	[hbm4b:s0+s29] =	stream.strided.scatter [tilespmem:s11], [sflag:$0xD], $0x4000, s30, s29, $0x38;
	[tilespmem:$0x1A400] =	vst v63  }
0xd3: {  	s3 =	sshrl.u32 @!p1 s14, $0x2;
	s0 =	sadd.s32 @!p0 $0xFFFFFF00, s7;
	_ =	swait.ge @!p0 [sflag:s1], $0x4000  }
0xd4: {  	s12 =	sand.u32 $0x2, s10;
	s0 =	sand.u32 @!p0 $0x1FE00, s0;
	[sflag:s1] =	ssyncset.done @!p0 $0x0  }
0xd5: {  	s0 =	sor.u32 @!p0 s3, s0;
	[sflag:s1] =	ssyncadd.s32 @!p0 $0xFFFFC000;
	s1 =	simm.s32 @!p0 $0xE400  }
0xd6: {  	[tilespmem:s1], [sflag:$0x5] =	stream.indirect.gather @!p0 [hbm4b:s5+s17], $0x40, s0, s17, $0xb8;
	[tilespmem:$0x1A400] =	vst v63  }
0xd7: {  	s14 =	simm.s32 $0x7;
	s0 =	sor.u32 @!p0 $0x80, s0;
	s1 =	simm.s32 @!p0 $0x10400  }
0xd8: {  	[tilespmem:s1], [sflag:$0x6] =	stream.indirect.gather @!p0 [hbm4b:s5+s17], $0x40, s0, s17, $0xb8;
	[tilespmem:$0x1A400] =	vst v63  }
0xd9: {  	s0 =	sor.u32 s4, s12;
	_ =	swait.ge [sflag:s14], $0x2000  }
0xda: {  	s18 =	sadd.s32 $0xFFFFFFE0, s6;
	s0 =	smul.u32 $0x64000, s0;
	[sflag:s14] =	ssyncset.done $0x0  }
0xdb: {  	s20 =	simm.s32 $0x8;
	s1 =	sand.u32 $0x3FC0, s18;
	[sflag:s14] =	ssyncadd.s32 $0xFFFFE000  }
0xdc: {  	s0 =	sor.u32 s1, s0;
	_ =	swait.ge [sflag:s20], $0x2000  }
0xdd: {  	s0 =	sshrl.u32 s0, $0x3;
	[sflag:s20] =	ssyncset.done $0x0  }
0xde: {  	s0 =	sadd.s32 s2, s0;
	[sflag:s20] =	ssyncadd.s32 $0xFFFFE000  }
0xdf: {  	[hbm4b:s0+s29] =	stream.strided.scatter [tilespmem:s19], [sflag:$0xE], $0x4000, s30, s29, $0x38;
	[tilespmem:$0x1A400] =	vst v63  }
0xe0: {  	s0 =	simm.s32 @!p0 $0xE  }
0xe1: {  	_ =	swait.ge @!p0 [sflag:s0], $0x4000  }
0xe2: {  	s1 =	sand.u32 @!p0 $0x1FE00, s7;
	[sflag:s0] =	ssyncset.done @!p0 $0x0  }
0xe3: {  	s1 =	sor.u32 @!p0 s9, s1;
	[sflag:s0] =	ssyncadd.s32 @!p0 $0xFFFFC000;
	s0 =	simm.s32 @!p0 $0x12400  }
0xe4: {  	[tilespmem:s0], [sflag:$0x7] =	stream.indirect.gather @!p0 [hbm4b:s5+s17], $0x40, s1, s17, $0xb8;
	[tilespmem:$0x1A400] =	vst v63  }
0xe5: {  	s0 =	simm.s32 @!p0 $0x14400;
	s1 =	sadd.s32 @!p0 $0x80, s1  }
0xe6: {  	[tilespmem:s0], [sflag:$0x8] =	stream.indirect.gather @!p0 [hbm4b:s5+s17], $0x40, s1, s17, $0xb8;
	[tilespmem:$0x1A400] =	vst v63  }
0xe7: {  	_ =	swait.ge [sflag:s16], $0x2000  }
0xe8: {  	[sflag:s16] =	ssyncset.done $0x0  }
0xe9: {  	s21 =	sand.u32 $0x3FC0, s6;
	[sflag:s16] =	ssyncadd.s32 $0xFFFFE000  }
0xea: {  	s0 =	sor.u32 s21, s8;
	_ =	swait.ge [sflag:s15], $0x2000  }
0xeb: {  	s0 =	sshrl.u32 s0, $0x3;
	[sflag:s15] =	ssyncset.done $0x0  }
0xec: {  	s22 =	simm.s32 $0xB;
	s0 =	sadd.s32 s2, s0;
	[sflag:s15] =	ssyncadd.s32 $0xFFFFE000  }
0xed: {  	[hbm4b:s0+s29] =	stream.strided.scatter [tilespmem:s13], [sflag:$0xF], $0x4000, s30, s29, $0x38;
	[tilespmem:$0x1A400] =	vst v63  }
0xee: {  	_ =	swait.ge [sflag:s22], $0x4000  }
0xef: {  	[sflag:s22] =	ssyncset.done $0x0  }
0xf0: {  	s23 =	simm.s32 $0xC;
	[sflag:s22] =	ssyncadd.s32 $0xFFFFC000  }
0xf1: {  	_ =	swait.ge [sflag:s23], $0x4000  }
0xf2: {  	[sflag:s23] =	ssyncset.done $0x0  }
0xf3: {  	s24 =	simm.s32 $0xD;
	[sflag:s23] =	ssyncadd.s32 $0xFFFFC000  }
0xf4: {  	_ =	swait.ge [sflag:s24], $0x4000  }
0xf5: {  	[sflag:s24] =	ssyncset.done $0x0  }
0xf6: {  	s25 =	simm.s32 $0xE;
	[sflag:s24] =	ssyncadd.s32 $0xFFFFC000  }
0xf7: {  	_ =	swait.ge [sflag:s25], $0x4000  }
0xf8: {  	[sflag:s25] =	ssyncset.done $0x0  }
0xf9: {  	s26 =	simm.s32 $0xF;
	[sflag:s25] =	ssyncadd.s32 $0xFFFFC000  }
0xfa: {  	_ =	swait.ge [sflag:s26], $0x4000  }
0xfb: {  	s28 =	rddreg [dreg:$0x6]  }
0xfc: {  	s31 =	rddreg [dreg:$0x5];
	s3 =	sadd.s32 $0x1, s28  }
0xfd: {  	p0 =	sne.s32 s3, s31  }
.Ltmp1:
0xfe: {  	_ = 	snop;
	(pc) =	sbr.rel @p0 .LBB2_1-.Ltmp1, $3  }
0xff: {  	_ =	sdelay $0x1  }
0x100: {  	[sflag:s26] =	ssyncset.done $0x0  }
0x101: {  	s18 =	simm.s32 $0x16400;
	[sflag:s26] =	ssyncadd.s32 $0xFFFFC000  }
0x102: {  	_ =	sfence.sel $0x180000  }
0x103: {  	[bflag:$0x0] =	sbarrier.arrive $0xFFFF  }
0x104: {  	_ =	strace $0x90000047  }
0x105: {  	s0 =	stileid.u32;
	[bflag:$0x2] =	sbarrier.arrive $0xFFFF  }
0x106: {  	p0 =	sne.s32 s0, $0x0;
	s0 =	rddreg [dreg:$0x2]  }
0x107: {  	s0 =	sadd.s32 @!p0 $0x100000, s0  }
0x108: {  	[sflag:s0] =	ssyncadd.tile.s32 @!p0 $0x1;
	_ =	shalt  }
.Lfunc_end2:
_tile_overlayer_lowered:
.L_overlay_start_2:
0x109: {  	(tag) =	ssettag $0x2  }
0x10a: {  	s0 =	rddreg [dreg:$0x0];
	s2 =	stileid.u32  }
0x10b: {  	s1 =	rddreg [dreg:$0x1];
	p0 =	sne.s32 s2, $0x0  }
0x10c: {  	s3 =	rddreg [dreg:$0x2];
	[bflag:$0x3] =	sbarrier.arrive $0xFFFF;
	s2 =	simm.s32 @!p0 $0x1C10  }
0x10d: {  	[timem:s3], [sflag:s2] =	dma.local @!p0 [hbm:s0], s1  }
0x10e: {  	s0 =	simm.s32 @!p0 $0x10  }
0x10f: {  	_ =	swait.ge @!p0 [sflag:s0], s1  }
0x110: {  	s1 =	ssub.s32 @!p0 $0x0, s1;
	[sflag:s0] =	ssyncset.done @!p0 $0x0  }
0x111: {  	[sflag:s0] =	ssyncadd.s32 @!p0 s1  }
0x112: {  	[bflag:$0x3] =	sbarrier.arrive $0xFFFF  }
0x113: {  	_ =	shalt  }

// kernel: sparse-core-data-format-call.cloned.1.call-start
scs
called_computation_lowered:
.L_overlay_start_0:
0x0: {  	s2 =	sld [smem:$0x3FD9]  }
0x1: {  	s3 =	sld [smem:$0x3FFE];
	_ =	sdelay $0x1  }
0x2: {  	s1 =	srdreg.scid  }
0x3: {  	s0 =	sand.u32 $0x1, s1  }
0x4: {  	s18 =	sshll.u32 s0, $0xA;
	s2 =	sadd.s32 s3, s2  }
0x5: {  	s2 =	sadd.s32 s2, s18  }
0x6: {  	[smem:$0x3FC6] =	sst s2  }
0x7: {  	_ = 	snop  }
0x8: {  	s2 =	sld [smem:$0x3FD0];
	(tm) =	ssettm $0x1  }
0x9: {  	s19 =	sld [smem:$0x3FFB];
	_ =	sdelay $0x3  }
0xa: {  	_ =	strace s19  }
0xb: {  	s3 =	sld [smem:$0x3FFC];
	_ =	sdelay $0x3  }
0xc: {  	_ =	strace s3  }
0xd: {  	s3 =	sld [smem:$0x3FFD];
	_ =	sdelay $0x3  }
0xe: {  	_ =	strace s3  }
0xf: {  	_ =	strace $0x8FFFFFFF  }
0x10: {  	s20 =	sld [smem:$0x3FDB];
	_ =	sdelay $0x1  }
0x11: {  	s4 =	simm.s32 $_scs_section_size  }
0x12: {  	s5 =	simm.s32 $_size__tile_overlayer_lowered;
	s6 =	simm.s32 $_tile_overlayer_lowered  }
0x13: {  	s23 =	simm.s32 $0x1BFF;
	s22 =	sshll.u32 s6, $0x1;
	s3 =	sadd.s32 s4, s20  }
0x14: {  	s7 =	simm.s32 $0x0;
	s21 =	sshll.u32 s5, $0x1;
	s5 =	sadd.s32 s22, s3  }
0x15: {  	[timem:s7], [sflag:s23] =	dma.local [hbm:s5], s21  }
0x16: {  	_ =	swait.ge [sflag:s23], s21  }
0x17: {  	s4 =	ssub.s32 $0x0, s21;
	[sflag:s23] =	ssyncset.done $0x0  }
0x18: {  	[sflag:s23] =	ssyncadd.s32 s4;
	_ =	sdelay $0x1  }
0x19: {  	s24 =	simm.s32 $0x1B8B  }
0x1a: {  	_ =	swait.ge [sflag:s24], $0x1  }
0x1b: {  	[sflag:s24] =	ssyncset.done $0x0  }
0x1c: {  	s26 =	simm.s32 $0x1B8E;
	s25 =	sld [smem:$0x3FFE];
	[sflag:s24] =	ssyncadd.s32 $0xFFFFFFFF  }
0x1d: {  	s27 =	simm.s32 $execute0_lowered;
	[smem:$0x3FD2] =	sst s26  }
0x1e: {  	s5 =	sshll.u32 s27, $0x1;
	_ =	strace $0x80000049;
	[dreg:$0x1] =	wrdreg $0xFFFFFFFF  }
0x1f: {  	s28 =	simm.s32 $_size_execute0_lowered;
	s3 =	sadd.s32 s3, s5;
	[dreg:$0x0] =	wrdreg $0x0  }
0x20: {  	s5 =	sshll.u32 s28, $0x1;
	[dreg:$0x2] =	wrdreg s3  }
0x21: {  	[dreg:$0x3] =	wrdreg s5  }
0x22: {  	[dreg:$0x4] =	wrdreg $0xC0  }
0x23: {  	_ =	task [dreg:s7], $0x5FFFF  }
0x24: {  	[dreg:$0x1] =	wrdreg $0xFFFFFFFF  }
0x25: {  	[dreg:$0x0] =	wrdreg $0x60  }
0x26: {  	[dreg:$0x2] =	wrdreg s25  }
0x27: {  	[dreg:$0x3] =	wrdreg s2  }
0x28: {  	[dreg:$0x4] =	wrdreg $0x9  }
0x29: {  	_ =	task.clear_ibuf [dreg:s7], $0x5FFFF;
	_ =	strace $0x90000049  }
0x2a: {  	s29 =	simm.s32 $0x9;
	_ =	strace $0x8000004B  }
0x2b: {  	_ =	swait.ge [sflag:s29], $0x1  }
0x2c: {  	[sflag:s29] =	ssyncadd.s32 $0xFFFFFFFF  }
0x2d: {  	_ =	strace $0x9000004B  }
0x2e: {  	_ =	sfence  }
0x2f: {  	s30 =	sld [smem:$0x0];
	_ =	sdelay $0x2  }
0x30: {  	s31 =	sshll.u32 s1, $0xD;
	s1 =	sshrl.u32 s1, $0x2  }
0x31: {  	s3 =	sand.u32 $0x4000, s31;
	s1 =	sadd.s32 s1, s30  }
0x32: {  	s0 =	sor.u32 s3, s0;
	s1 =	sshll.u32 s1, $0x11  }
0x33: {  	s0 =	sor.u32 s1, s0  }
0x34: {  	s0 =	sadd.s32 $0x8F2B, s0  }
0x35: {  	[sflag:s0] =	ssyncadd.remote.s32 $0x1  }
0x36: {  	_ =	sfence.sel $0xFFFF  }
0x37: {  	[dreg:$0x0] =	wrdreg $0xFFFFFFFF;
	(pc) =	sbr.abs _section_cstart, $3  }
0x38: {  	[dreg:$0x1] =	wrdreg $0xFFFFFFFF  }
0x39: {  	_ =	task.clear_ibuf [dreg:s7], $0x2FFFF;
	_ =	strace $0x9FFFFFFF  }
0x3a: {  	(tm) =	ssettm $0x7FFFFFFF  }
0x3b: {  	_ =	shalt  }
tec
execute0_lowered:
.L_overlay_start_1:
0x0: {  	(tag) =	ssettag $0x1  }
0x1: {  	s0 =	srdreg.scid  }
0x2: {  	s1 =	sshll.u32 s0, $0x4  }
0x3: {  	s0 =	stileid.u32;
	s1 =	sand.u32 $0x10, s1  }
0x4: {  	s1 =	sor.u32 s0, s1  }
0x5: {  	s6 =	rddreg [dreg:$0x0];
	s4 =	simm.s32 $0x1;
	s2 =	sshll.u32 s1, $0x7  }
0x6: {  	s7 =	simm.s32 $0x2;
	s12 =	simm.s32 $0x0;
	s1 =	ssub.s32 $0x4000, s2  }
0x7: {  	s8 =	simm.s32 $0x20000;
	s13 =	simm.s32 $0x0;
	s3 =	sand.u32 $0xF80, s1  }
0x8: {  	s9 =	simm.s32 $0x0;
	s5 =	sshrl.u32 s1, $0xC;
	p0 =	sne.s32 s3, $0x0  }
.Ltmp0:
0x9: {  	s1 =	rddreg [dreg:$0x2];
	s4 =	simm.s32 @!p0 $0x0;
	(pc) =	sbr.rel .LBB1_1-.Ltmp0, $4  }
0xa: {  	s11 =	simm.s32 $0x0;
	s3 =	rddreg [dreg:$0x1];
	s5 =	sadd.s32 s4, s5  }
0xb: {  	_ =	strace $0x8000004A;
	s4 =	simm.s32 $0x1;
	s5 =	smul.u32 $0x32, s5  }
0xc: {  	s6 =	sadd.s32 $0xA00, s6;
	s10 =	smov.u32 s2;
	[sflag:s4] =	ssyncpa.u1 $0x0  }
0xd: {  	p0 =	por $0x0, $0x0;
	[sflag:s7] =	ssyncpa.u1 $0x0;
	s7 =	sor.u32 $0x1, s5  }
.LBB1_4:
0xe: {  	s16 =	sshll.u32 s13, $0x3;
	s17 =	sand.u32 $0x78, s13  }
0xf: {  	s30 =	sand.u32 $0x1F800, s13;
	s12 =	sshll.u32 s12, $0x11;
	s16 =	sand.u32 $0x3C00, s16  }
0x10: {  	[tilespmem:s15+$0x810 ss:$0x81] =	vst.msk $0xffff, v2;
	s31 =	sand.u32 $0x7, s13;
	s16 =	sor.u32 s17, s16;
	s17 =	sadd.s32 s3, s30  }
0x11: {  	[tilespmem:s15+$0x1020 ss:$0x81] =	vst.msk $0xffff, v0;
	s13 =	sshll.u32 s31, $0x12;
	s12 =	sadd.s32 s12, s17;
	s16 =	sshrl.u32 s16, $0x3  }
0x12: {  	[tilespmem:s15+$0x0 ss:$0x81] =	vst.msk $0xffff, v1;
	s13 =	sor.u32 $0x400, s13;
	s12 =	sadd.s32 s16, s12  }
0x13: {  	[hbm4b:s12+s13] =	stream.strided.scatter [tilespmem:s14], [sflag:$0x2], $0x2000, s8, s13, $0x20;
	[tilespmem:$0x8080] =	vst v63  }
.LBB1_5:
0x14: {  	s14 =	sadd.s32 $0x1, s9  }
0x15: {  	s12 =	sadd.s32 $0x1000, s10;
	s16 =	smov.u32 s10;
	p2 =	sgt.s32 s14, $0x31  }
0x16: {  	s16 =	smov.u32 @p2 s12  }
0x17: {  	s14 =	simm.s32 @p2 $0x0;
	p2 =	sgt.s32 s16, $0x3FFF  }
0x18: {  	s16 =	smov.u32 @p2 s2;
	p2 =	sne.s32 s11, s7  }
.Ltmp1:
0x19: {  	p1 =	slt.u32 s11, $0x2;
	(pc) =	sbr.rel @!p2 .LBB1_6-.Ltmp1, $4  }
0x1a: {  	s15 =	simm.s32 @!p1 $0x2  }
0x1b: {  	s13 =	smov.u32 s10;
	p0 =	por !p0, !p0;
	_ =	swait.ge @!p1 [sflag:s15], $0x2000  }
0x1c: {  	s12 =	smov.u32 s9;
	[sflag:s15] =	ssyncset.done @!p1 $0x0;
	s9 =	smov.u32 s14  }
0x1d: {  	s11 =	sadd.s32 $0x1, s11;
	[sflag:s15] =	ssyncadd.s32 @!p1 $0xFFFFE000;
	s10 =	smov.u32 s16  }
.LBB1_1:
0x1e: {  	p1 =	sge.u32 s11, s5  }
0x1f: {  	s14 =	sand.u32 @!p1 $0x1FFFFFF, s9  }
0x20: {  	s15 =	smulhi.u32 @!p1 $0x4924925, s14;
	_ =	sdelay $0x1  }
0x21: {  	s15 =	smul.u32 @!p1 $0x38, s15  }
0x22: {  	s16 =	sxor.u32 @!p1 $0xFFFFFFFF, s11;
	s17 =	smul.u32 @!p1 $0x380, s10  }
0x23: {  	s31 =	sadd.s32 $0xFFFFFFFF, s11;
	s16 =	sshll.u32 @!p1 s16, $0xD;
	s14 =	ssub.s32 @!p1 s14, s15  }
0x24: {  	s15 =	sand.u32 @!p1 $0x2000, s16;
	s16 =	sadd.s32 @!p1 s6, s17;
	s14 =	sshll.u32 @!p1 s14, $0x4  }
0x25: {  	s17 =	simm.s32 @!p1 $0x1C00;
	s14 =	sadd.s32 @!p1 s14, s16;
	s16 =	simm.s32 @!p1 $0x40  }
0x26: {  	[tilespmem:s15], [sflag:$0x1] =	stream.strided.gather @!p1 [hbm4b:s14+s16], $0x2000, s17, s16, $0x38;
	[tilespmem:$0x8080] =	vst v63  }
0x27: {  	p1 =	sge.u32 s31, s5  }
.Ltmp2:
0x28: {  	_ = 	snop;
	(pc) =	sbr.rel @p1 .LBB1_5-.Ltmp2, $1  }
0x29: {  	_ =	sdelay $0x3  }
0x2a: {  	s14 =	simm.s32 $0x1  }
0x2b: {  	_ =	swait.ge [sflag:s4], $0x2000;
	s14 =	simm.s32 @!p0 $0x0  }
0x2c: {  	[sflag:s4] =	ssyncset.done $0x0;
	s15 =	sshll.u32 s14, $0xD  }
0x2d: {  	[sflag:s4] =	ssyncadd.s32 $0xFFFFE000;
	s18 =	sor.u32 $0x20, s15  }
0x2e: {  	s14 =	smul.u32 $0x8100, s14;
	v3 =	vld [tilespmem:s18+$0x10]  }
0x2f: {  	s30 =	sand.u32 $0x1, s11;
	v2 =	vld [tilespmem:s18+$0xFFFFFFF0]  }
0x30: {  	s15 =	smul.u32 $0x8100, s30;
	s14 =	sshrl.u32 s14, $0x2;
	v0 =	vld [tilespmem:s18+$0x0]  }
0x31: {  	v1 =	vld [tilespmem:s18+$0xFFFFFFE0];
	s16 =	sor.u32 $0x4000, s14  }
0x32: {  	s31 =	sshrl.u32 s15, $0x2;
	s15 =	sadd.s32 $0x0, s16  }
0x33: {  	s17 =	simm.s32 $0x4;
	s18 =	sadd.s32 $0x40, s18;
	s14 =	sor.u32 $0x4000, s31;
	[tilespmem:s15+$0x1830 ss:$0x81] =	vst.msk $0xffff, v3  }
.LBB1_3:
0x34: {  	v3 =	vld [tilespmem:s18+$0x10];
	p1 =	sne.s32 s17, $0x1FC;
	[tilespmem:s15+$0x810 ss:$0x81] =	vst.msk $0xffff, v2;
	s19 =	smov.u32 s17;
	s17 =	sadd.s32 $0x4, s17  }
.Ltmp3:
0x35: {  	v2 =	vld [tilespmem:s18+$0xFFFFFFF0];
	[tilespmem:s15+$0x1020 ss:$0x81] =	vst.msk $0xffff, v0;
	(pc) =	sbr.rel @p1 .LBB1_3-.Ltmp3, $4  }
0x36: {  	v0 =	vld [tilespmem:s18+$0x0];
	[tilespmem:s15+$0x0 ss:$0x81] =	vst.msk $0xffff, v1  }
0x37: {  	s15 =	sshra.s32 s19, $0x2;
	v1 =	vld [tilespmem:s18+$0xFFFFFFE0]  }
0x38: {  	s15 =	sadd.s32 s15, s16  }
0x39: {  	s18 =	sadd.s32 $0x40, s18;
	[tilespmem:s15+$0x1830 ss:$0x81] =	vst.msk $0xffff, v3  }
.Ltmp4:
0x3a: {  	_ = 	snop;
	(pc) =	sbr.rel .LBB1_4-.Ltmp4, $1  }
0x3b: {  	_ =	sdelay $0x3  }
.LBB1_6:
0x3c: {  	_ =	sfence.sel $0x180000  }
0x3d: {  	s2 =	simm.s32 $0x1;
	[bflag:$0x0] =	sbarrier.arrive $0xFFFF  }
0x3e: {  	s31 =	simm.s32 $0x2;
	[sflag:s2] =	ssyncpa.u1 $0x1  }
0x3f: {  	[sflag:s31] =	ssyncpa.u1 $0x1  }
0x40: {  	p0 =	sne.s32 s0, $0x0;
	_ =	strace $0x9000004A  }
0x41: {  	s0 =	sadd.s32 @!p0 $0x100000, s1;
	[bflag:$0x2] =	sbarrier.arrive $0xFFFF  }
0x42: {  	[sflag:s0] =	ssyncadd.tile.s32 @!p0 $0x1;
	_ =	shalt  }
.Lfunc_end1:
_tile_overlayer_lowered:
.L_overlay_start_2:
0x43: {  	(tag) =	ssettag $0x2  }
0x44: {  	s0 =	rddreg [dreg:$0x0];
	s2 =	stileid.u32  }
0x45: {  	s1 =	rddreg [dreg:$0x1];
	p0 =	sne.s32 s2, $0x0  }
0x46: {  	s3 =	rddreg [dreg:$0x2];
	[bflag:$0x3] =	sbarrier.arrive $0xFFFF;
	s2 =	simm.s32 @!p0 $0x1C01  }
0x47: {  	[timem:s3], [sflag:s2] =	dma.local @!p0 [hbm:s0], s1  }
0x48: {  	s0 =	simm.s32 @!p0 $0x1  }
0x49: {  	_ =	swait.ge @!p0 [sflag:s0], s1  }
0x4a: {  	s1 =	ssub.s32 @!p0 $0x0, s1;
	[sflag:s0] =	ssyncset.done @!p0 $0x0  }
0x4b: {  	[sflag:s0] =	ssyncadd.s32 @!p0 s1  }
0x4c: {  	[bflag:$0x3] =	sbarrier.arrive $0xFFFF  }
0x4d: {  	_ =	shalt  }

</sc_bundles>
